<compile_context>
chip_gen: v7x
topology: tpu7x:2x2x1
jax: 0.10.2.dev20260603
libtpu: 0.0.44.dev20260713+nightly
codegen_flags: <defaults>
</compile_context>

<pallas_src>
import functools

import jax
import jax.numpy as jnp
from jax import lax
from jax.experimental import pallas as pl
from jax.experimental.pallas import tpu as pltpu
from jax.experimental.pallas import tpu_sc as plsc

N = 10000
E = 320000
D = 128

NC = 2
NS = 16
NW = NC * NS
LANES = 16
CH = 128
EPT = 10112
NCH = EPT // CH
ET = NW * EPT
NPAD = 10240
SPT = NPAD // NS


def _proj_body(h_ref, wfc_ref, w8_ref, z_ref, at_ref):
    z = lax.dot_general(h_ref[...], wfc_ref[...], (((1,), (1,)), ((), ())),
                        preferred_element_type=jnp.float32)
    z_ref[...] = z
    at_ref[...] = lax.dot_general(w8_ref[...], z, (((1,), (1,)), ((), ())),
                                  preferred_element_type=jnp.float32)


def _tc_proj(h, wfc, w8):
    return pl.pallas_call(
        _proj_body,
        out_shape=[
            jax.ShapeDtypeStruct((N, D), jnp.float32),
            jax.ShapeDtypeStruct((8, N), jnp.float32),
        ],
    )(h, wfc, w8)


def _sc_scores(src, dst, asrc, adst):
    mesh = plsc.VectorSubcoreMesh(core_axis_name="c", subcore_axis_name="s")

    @functools.partial(
        pl.kernel,
        mesh=mesh,
        out_type=[
            jax.ShapeDtypeStruct((ET,), jnp.float32),
            jax.ShapeDtypeStruct((NC * NPAD,), jnp.float32),
        ],
        scratch_types=[
            pltpu.VMEM((EPT,), jnp.int32),
            pltpu.VMEM((EPT,), jnp.int32),
            pltpu.VMEM((N,), jnp.float32),
            pltpu.VMEM((N,), jnp.float32),
            pltpu.VMEM((EPT,), jnp.float32),
            pltpu.VMEM((CH,), jnp.int32),
            pltpu.VMEM((NPAD,), jnp.float32),
            pltpu.VMEM_SHARED((NPAD,), jnp.float32),
        ],
        compiler_params=pltpu.CompilerParams(needs_layout_passes=False),
    )
    def k(src_hbm, dst_hbm, asrc_hbm, adst_hbm, s_hbm, den_hbm,
          src_v, dst_v, asrc_v, adst_v, s_v, idx_c, zero_v, den_sh):
        cid = lax.axis_index("c")
        sid = lax.axis_index("s")
        wid = sid * NC + cid
        base = wid * EPT
        pltpu.sync_copy(src_hbm.at[pl.ds(base, EPT)], src_v)
        pltpu.sync_copy(dst_hbm.at[pl.ds(base, EPT)], dst_v)
        pltpu.sync_copy(asrc_hbm, asrc_v)
        pltpu.sync_copy(adst_hbm, adst_v)

        zf = jnp.zeros((LANES,), jnp.float32)

        def zbody(i, c):
            zero_v[pl.ds(i * LANES, LANES)] = zf
            return c
        lax.fori_loop(0, NPAD // LANES, zbody, 0)

        lane = lax.iota(jnp.int32, LANES)

        def sbody(i, c):
            sl = pl.ds(i * LANES, LANES)
            av = plsc.load_gather(asrc_v, [src_v[sl]])
            bv = plsc.load_gather(adst_v, [dst_v[sl]])
            x = av + bv
            x = jnp.maximum(x, 0.01 * x)
            s = jnp.exp(x)
            g = base + i * LANES + lane
            s_v[sl] = jnp.where(g < E, s, 0.0)
            return c
        lax.fori_loop(0, EPT // LANES, sbody, 0)

        @pl.when(sid == 0)
        def _():
            pltpu.sync_copy(zero_v, den_sh)
        plsc.subcore_barrier()

        def scat(c, carry):
            cb = c * CH
            for t in range(CH // LANES):
                idx_c[pl.ds(t * LANES, LANES)] = dst_v[pl.ds(cb + t * LANES, LANES)]
            pltpu.sync_copy(s_v.at[pl.ds(cb, CH)], den_sh.at[idx_c], add=True)
            return carry
        lax.fori_loop(0, NCH, scat, 0)
        plsc.subcore_barrier()

        @pl.when(sid == 0)
        def _():
            pltpu.sync_copy(den_sh, den_hbm.at[pl.ds(cid * NPAD, NPAD)])
        pltpu.sync_copy(s_v, s_hbm.at[pl.ds(base, EPT)])

    return k(src, dst, asrc, adst)


def _sc_aggregate(z, src, dst, s):
    mesh = plsc.VectorSubcoreMesh(core_axis_name="c", subcore_axis_name="s")

    @functools.partial(
        pl.kernel,
        mesh=mesh,
        out_type=jax.ShapeDtypeStruct((NC, NPAD, D), jnp.float32),
        scratch_types=[
            pltpu.VMEM((CH,), jnp.int32),
            pltpu.VMEM((CH,), jnp.int32),
            pltpu.VMEM((CH,), jnp.int32),
            pltpu.VMEM((CH,), jnp.int32),
            pltpu.VMEM((CH,), jnp.float32),
            pltpu.VMEM((CH,), jnp.float32),
            pltpu.VMEM((CH, D), jnp.float32),
            pltpu.VMEM((CH, D), jnp.float32),
            pltpu.VMEM_SHARED((NPAD, D), jnp.float32),
            pltpu.SemaphoreType.DMA,
            pltpu.SemaphoreType.DMA,
            pltpu.SemaphoreType.DMA,
            pltpu.SemaphoreType.DMA,
        ],
        compiler_params=pltpu.CompilerParams(needs_layout_passes=False),
    )
    def k(z_hbm, src_hbm, dst_hbm, s_hbm, out_hbm,
          sidx0, sidx1, didx0, didx1, sc0, sc1, rows0, rows1, out_sh,
          gsem0, gsem1, ssem0, ssem1):
        cid = lax.axis_index("c")
        sid = lax.axis_index("s")
        wid = sid * NC + cid
        base = wid * EPT

        zf = jnp.zeros((LANES,), jnp.float32)
        zi = jnp.zeros((LANES,), jnp.int32)
        bufs = ((sidx0, didx0, sc0, rows0, gsem0, ssem0),
                (sidx1, didx1, sc1, rows1, gsem1, ssem1))

        def stage(c, slot):
            sidx, didx, scv, rows, gsem, ssem = bufs[slot]
            pltpu.make_async_copy(z_hbm.at[pl.ds(0, CH)], rows, ssem).wait()
            gb = base + c * CH
            pltpu.sync_copy(src_hbm.at[pl.ds(gb, CH)], sidx)
            pltpu.sync_copy(dst_hbm.at[pl.ds(gb, CH)], didx)
            pltpu.sync_copy(s_hbm.at[pl.ds(gb, CH)], scv)
            pltpu.async_copy(z_hbm.at[sidx], rows, gsem)

        def process(slot):
            sidx, didx, scv, rows, gsem, ssem = bufs[slot]
            pltpu.make_async_copy(z_hbm.at[pl.ds(0, CH)], rows, gsem).wait()

            def ebody(q, c2):
                for u in range(4):
                    e = q * 4 + u
                    ab = plsc.load_gather(
                        scv, [jnp.full((LANES,), e, jnp.int32)])
                    for t in range(D // LANES):
                        sl = pl.ds(t * LANES, LANES)
                        rows[e, sl] = rows[e, sl] * ab
                return c2
            lax.fori_loop(0, CH // 4, ebody, 0)
            pltpu.async_copy(rows, out_sh.at[didx], ssem, add=True)

        def zrow(r, c):
            for t in range(D // LANES):
                rows0[r, pl.ds(t * LANES, LANES)] = zf
                rows1[r, pl.ds(t * LANES, LANES)] = zf
            return c
        lax.fori_loop(0, CH, zrow, 0)
        for t in range(CH // LANES):
            didx0[pl.ds(t * LANES, LANES)] = zi
            didx1[pl.ds(t * LANES, LANES)] = zi
        for q in range(SPT // CH):
            pltpu.sync_copy(rows0, out_sh.at[pl.ds(sid * SPT + q * CH, CH)])
        plsc.subcore_barrier()

        pltpu.async_copy(rows0, out_sh.at[didx0], ssem0, add=True)
        pltpu.async_copy(rows1, out_sh.at[didx1], ssem1, add=True)

        stage(0, 0)

        def pair(i, carry):
            c0 = 2 * i

            @pl.when(c0 + 1 < NCH)
            def _():
                stage(c0 + 1, 1)
            process(0)

            @pl.when(c0 + 2 < NCH)
            def _():
                stage(c0 + 2, 0)

            @pl.when(c0 + 1 < NCH)
            def _():
                process(1)
            return carry
        lax.fori_loop(0, (NCH + 1) // 2, pair, 0)
        pltpu.make_async_copy(z_hbm.at[pl.ds(0, CH)], rows0, ssem0).wait()
        pltpu.make_async_copy(z_hbm.at[pl.ds(0, CH)], rows1, ssem1).wait()
        plsc.subcore_barrier()

        pltpu.sync_copy(out_sh.at[pl.ds(sid * SPT, SPT)],
                        out_hbm.at[cid, pl.ds(sid * SPT, SPT)])

    return k(z, src, dst, s)


def _finish_body(a_ref, b_ref, dena_ref, denb_ref, o_ref):
    br = o_ref.shape[0]
    d = dena_ref[0, 0, 0] + denb_ref[0, 0, 0]
    d = jnp.where(d == 0.0, 1.0, d)
    inv = jnp.reshape(1.0 / d, (br, 1))
    o_ref[...] = (a_ref[0] + b_ref[0]) * inv


def _tc_finish(parts, denp):
    br = 1024
    den4 = jnp.reshape(denp, (NC, NPAD // br, 1, br))
    return pl.pallas_call(
        _finish_body,
        grid=(NPAD // br,),
        in_specs=[
            pl.BlockSpec((1, br, D), lambda i: (0, i, 0)),
            pl.BlockSpec((1, br, D), lambda i: (1, i, 0)),
            pl.BlockSpec((1, 1, 1, br), lambda i: (0, i, 0, 0)),
            pl.BlockSpec((1, 1, 1, br), lambda i: (1, i, 0, 0)),
        ],
        out_specs=pl.BlockSpec((br, D), lambda i: (i, 0)),
        out_shape=jax.ShapeDtypeStruct((NPAD, D), jnp.float32),
    )(parts, parts, den4, den4)


def kernel(h, edge_index, W_fc, W_attn):
    src = jnp.pad(edge_index[0].astype(jnp.int32), (0, ET - E))
    dst = jnp.pad(edge_index[1].astype(jnp.int32), (0, ET - E))
    w8 = jnp.zeros((8, D), jnp.float32)
    w8 = w8.at[0].set(W_attn[0, :D]).at[1].set(W_attn[0, D:])
    z, at = _tc_proj(h, W_fc, w8)
    s, denp = _sc_scores(src, dst, at[0], at[1])
    parts = _sc_aggregate(z, src, dst, s)
    return _tc_finish(parts, denp)[:N]

# --- scband reference (transcript-rebuilt; emitter-appended) ---
"""Pipeline reference for scband-sgatlayer-3186865734207 (READ-ONLY COPY).

The authoritative reference and input builder live on the scoring server;
editing this copy changes nothing except your own understanding.
"""

import jax, jax.numpy as jnp
import numpy as np

N_NODES = 10000
N_EDGES = 320000
D_IN = 128
D_OUT = 128


def setup_inputs(seed: int = 0) -> dict:
    key = jax.random.key(seed)
    k1, k2, k3, k4 = jax.random.split(key, 4)
    h = jax.random.normal(k1, (N_NODES, D_IN), dtype=jnp.float32)
    edge_index = jax.random.randint(k2, (2, N_EDGES), 0, N_NODES)
    # learned params: fc.weight [out_dim, in_dim], attn_fc.weight [1, 2*out_dim]
    W_fc = jax.random.normal(k3, (D_OUT, D_IN), dtype=jnp.float32) * 0.05
    W_attn = jax.random.normal(k4, (1, 2 * D_OUT), dtype=jnp.float32) * 0.05
    return {"h": h, "edge_index": edge_index, "W_fc": W_fc, "W_attn": W_attn}


def reference(h, edge_index, W_fc, W_attn):
    # SGAT on a homogeneous graph: every node is a sentence node (unit==1),
    # every edge is a sentence-sentence edge (dtype==0).
    N = h.shape[0]
    z = h @ W_fc.T                               # fc(h), no bias
    src = edge_index[0]
    dst = edge_index[1]
    z_src = z[src]                               # gather
    z_dst = z[dst]                               # gather
    z2 = jnp.concatenate([z_src, z_dst], axis=1)
    e = jax.nn.leaky_relu(z2 @ W_attn.T, negative_slope=0.01)[:, 0]  # [E]
    # per-destination-node softmax over incoming edges (mailbox softmax)
    m = jax.ops.segment_max(e, dst, num_segments=N)
    e_exp = jnp.exp(e - m[dst])
    denom = jax.ops.segment_sum(e_exp, dst, num_segments=N)
    denom = jnp.where(denom == 0.0, 1.0, denom)
    alpha = e_exp / denom[dst]
    sh = jax.ops.segment_sum(alpha[:, None] * z_src, dst, num_segments=N)
    return sh

if __name__ == "__main__":
    import jax
    _d = setup_inputs()
    print(jax.jit(kernel)(*tuple(_d.values())))

</pallas_src>

<mosaic_0001>
#map = affine_map<(d0, d1) -> (0, 0)>
#map1 = affine_map<(d0, d1) -> (0)>
#map2 = affine_map<(d0, d1) -> (0, 0, 0)>
module attributes {stable_mosaic.version = 14 : i64} {
  func.func @k(%arg0: i32, %arg1: i32, %arg2: memref<10000x128xf32, #tpu.memory_space<hbm>>, %arg3: memref<323584xi32, #tpu.memory_space<hbm>>, %arg4: memref<323584xi32, #tpu.memory_space<hbm>>, %arg5: memref<323584xf32, #tpu.memory_space<hbm>>, %arg6: memref<2x10240x128xf32, #tpu.memory_space<hbm>>, %arg7: memref<128xi32, #tpu.memory_space<vmem>>, %arg8: memref<128xi32, #tpu.memory_space<vmem>>, %arg9: memref<128xi32, #tpu.memory_space<vmem>>, %arg10: memref<128xi32, #tpu.memory_space<vmem>>, %arg11: memref<128xf32, #tpu.memory_space<vmem>>, %arg12: memref<128xf32, #tpu.memory_space<vmem>>, %arg13: memref<128x128xf32, #tpu.memory_space<vmem>>, %arg14: memref<128x128xf32, #tpu.memory_space<vmem>>, %arg15: memref<10240x128xf32, #tpu.memory_space<vmem_shared>>, %arg16: memref<!tpu.dma_semaphore, #tpu.memory_space<semaphore_mem>>, %arg17: memref<!tpu.dma_semaphore, #tpu.memory_space<semaphore_mem>>, %arg18: memref<!tpu.dma_semaphore, #tpu.memory_space<semaphore_mem>>, %arg19: memref<!tpu.dma_semaphore, #tpu.memory_space<semaphore_mem>>) attributes {dimension_semantics = [#tpu.dimension_semantics<core_parallel>, #tpu.dimension_semantics<subcore_parallel>], iteration_bounds = array<i64: 2, 16>, scalar_prefetch = 0 : i64, scratch_operands = 13 : i64, tpu.core_type = #tpu.core_type<sc_vector_subcore>, window_params = [{transform_indices = #map}, {transform_indices = #map1}, {transform_indices = #map1}, {transform_indices = #map1}, {transform_indices = #map2}]} {
    %mul3A = arith.constant 2 : i32
    %mul3A_0 = arith.muli %arg1, %mul3A : i32
    %add3A = arith.addi %mul3A_0, %arg0 : i32
    %mul3A_1 = arith.constant 10112 : i32
    %mul3A_2 = arith.muli %add3A, %mul3A_1 : i32
    %broadcast_in_dim3A = arith.constant 0.000000e+00 : f32
    %broadcast_in_dim3A_3 = vector.broadcast %broadcast_in_dim3A : f32 to vector<16xf32>
    %broadcast_in_dim3A_4 = arith.constant 0 : i32
    %broadcast_in_dim3A_5 = vector.broadcast %broadcast_in_dim3A_4 : i32 to vector<16xi32>
    %scan3A = arith.constant 0 : i32
    %scan3A_6 = arith.constant 0 : i32
    %scan3A_7 = arith.constant 128 : i32
    %scan3A_8 = arith.addi %scan3A_6, %scan3A_7 : i32
    %scan3A_9 = arith.constant 1 : i32
    scf.for %scan3A_100 = %scan3A_6 to %scan3A_8 step %scan3A_9  : i32 {
      %swap3A_101 = arith.index_cast %scan3A_100 : i32 to index
      %swap3A_102 = arith.constant 0 : index
      %swap3A_103 = tpu.vector_load %arg13[%swap3A_101, %swap3A_102] {strides = array<i32>} : memref<128x128xf32, #tpu.memory_space<vmem>>, vector<16xf32>,
      tpu.vector_store %arg13[%swap3A_101, %swap3A_102], %broadcast_in_dim3A_3 {strides = array<i32>} : memref<128x128xf32, #tpu.memory_space<vmem>>, vector<16xf32>,
      %swap3A_104 = arith.index_cast %scan3A_100 : i32 to index
      %swap3A_105 = arith.constant 0 : index
      %swap3A_106 = tpu.vector_load %arg14[%swap3A_104, %swap3A_105] {strides = array<i32>} : memref<128x128xf32, #tpu.memory_space<vmem>>, vector<16xf32>,
      tpu.vector_store %arg14[%swap3A_104, %swap3A_105], %broadcast_in_dim3A_3 {strides = array<i32>} : memref<128x128xf32, #tpu.memory_space<vmem>>, vector<16xf32>,
      %swap3A_107 = arith.index_cast %scan3A_100 : i32 to index
      %swap3A_108 = arith.constant 16 : index
      %swap3A_109 = tpu.vector_load %arg13[%swap3A_107, %swap3A_108] {strides = array<i32>} : memref<128x128xf32, #tpu.memory_space<vmem>>, vector<16xf32>,
      tpu.vector_store %arg13[%swap3A_107, %swap3A_108], %broadcast_in_dim3A_3 {strides = array<i32>} : memref<128x128xf32, #tpu.memory_space<vmem>>, vector<16xf32>,
      %swap3A_110 = arith.index_cast %scan3A_100 : i32 to index
      %swap3A_111 = arith.constant 16 : index
      %swap3A_112 = tpu.vector_load %arg14[%swap3A_110, %swap3A_111] {strides = array<i32>} : memref<128x128xf32, #tpu.memory_space<vmem>>, vector<16xf32>,
      tpu.vector_store %arg14[%swap3A_110, %swap3A_111], %broadcast_in_dim3A_3 {strides = array<i32>} : memref<128x128xf32, #tpu.memory_space<vmem>>, vector<16xf32>,
      %swap3A_113 = arith.index_cast %scan3A_100 : i32 to index
      %swap3A_114 = arith.constant 32 : index
      %swap3A_115 = tpu.vector_load %arg13[%swap3A_113, %swap3A_114] {strides = array<i32>} : memref<128x128xf32, #tpu.memory_space<vmem>>, vector<16xf32>,
      tpu.vector_store %arg13[%swap3A_113, %swap3A_114], %broadcast_in_dim3A_3 {strides = array<i32>} : memref<128x128xf32, #tpu.memory_space<vmem>>, vector<16xf32>,
      %swap3A_116 = arith.index_cast %scan3A_100 : i32 to index
      %swap3A_117 = arith.constant 32 : index
      %swap3A_118 = tpu.vector_load %arg14[%swap3A_116, %swap3A_117] {strides = array<i32>} : memref<128x128xf32, #tpu.memory_space<vmem>>, vector<16xf32>,
      tpu.vector_store %arg14[%swap3A_116, %swap3A_117], %broadcast_in_dim3A_3 {strides = array<i32>} : memref<128x128xf32, #tpu.memory_space<vmem>>, vector<16xf32>,
      %swap3A_119 = arith.index_cast %scan3A_100 : i32 to index
      %swap3A_120 = arith.constant 48 : index
      %swap3A_121 = tpu.vector_load %arg13[%swap3A_119, %swap3A_120] {strides = array<i32>} : memref<128x128xf32, #tpu.memory_space<vmem>>, vector<16xf32>,
      tpu.vector_store %arg13[%swap3A_119, %swap3A_120], %broadcast_in_dim3A_3 {strides = array<i32>} : memref<128x128xf32, #tpu.memory_space<vmem>>, vector<16xf32>,
      %swap3A_122 = arith.index_cast %scan3A_100 : i32 to index
      %swap3A_123 = arith.constant 48 : index
      %swap3A_124 = tpu.vector_load %arg14[%swap3A_122, %swap3A_123] {strides = array<i32>} : memref<128x128xf32, #tpu.memory_space<vmem>>, vector<16xf32>,
      tpu.vector_store %arg14[%swap3A_122, %swap3A_123], %broadcast_in_dim3A_3 {strides = array<i32>} : memref<128x128xf32, #tpu.memory_space<vmem>>, vector<16xf32>,
      %swap3A_125 = arith.index_cast %scan3A_100 : i32 to index
      %swap3A_126 = arith.constant 64 : index
      %swap3A_127 = tpu.vector_load %arg13[%swap3A_125, %swap3A_126] {strides = array<i32>} : memref<128x128xf32, #tpu.memory_space<vmem>>, vector<16xf32>,
      tpu.vector_store %arg13[%swap3A_125, %swap3A_126], %broadcast_in_dim3A_3 {strides = array<i32>} : memref<128x128xf32, #tpu.memory_space<vmem>>, vector<16xf32>,
      %swap3A_128 = arith.index_cast %scan3A_100 : i32 to index
      %swap3A_129 = arith.constant 64 : index
      %swap3A_130 = tpu.vector_load %arg14[%swap3A_128, %swap3A_129] {strides = array<i32>} : memref<128x128xf32, #tpu.memory_space<vmem>>, vector<16xf32>,
      tpu.vector_store %arg14[%swap3A_128, %swap3A_129], %broadcast_in_dim3A_3 {strides = array<i32>} : memref<128x128xf32, #tpu.memory_space<vmem>>, vector<16xf32>,
      %swap3A_131 = arith.index_cast %scan3A_100 : i32 to index
      %swap3A_132 = arith.constant 80 : index
      %swap3A_133 = tpu.vector_load %arg13[%swap3A_131, %swap3A_132] {strides = array<i32>} : memref<128x128xf32, #tpu.memory_space<vmem>>, vector<16xf32>,
      tpu.vector_store %arg13[%swap3A_131, %swap3A_132], %broadcast_in_dim3A_3 {strides = array<i32>} : memref<128x128xf32, #tpu.memory_space<vmem>>, vector<16xf32>,
      %swap3A_134 = arith.index_cast %scan3A_100 : i32 to index
      %swap3A_135 = arith.constant 80 : index
      %swap3A_136 = tpu.vector_load %arg14[%swap3A_134, %swap3A_135] {strides = array<i32>} : memref<128x128xf32, #tpu.memory_space<vmem>>, vector<16xf32>,
      tpu.vector_store %arg14[%swap3A_134, %swap3A_135], %broadcast_in_dim3A_3 {strides = array<i32>} : memref<128x128xf32, #tpu.memory_space<vmem>>, vector<16xf32>,
      %swap3A_137 = arith.index_cast %scan3A_100 : i32 to index
      %swap3A_138 = arith.constant 96 : index
      %swap3A_139 = tpu.vector_load %arg13[%swap3A_137, %swap3A_138] {strides = array<i32>} : memref<128x128xf32, #tpu.memory_space<vmem>>, vector<16xf32>,
      tpu.vector_store %arg13[%swap3A_137, %swap3A_138], %broadcast_in_dim3A_3 {strides = array<i32>} : memref<128x128xf32, #tpu.memory_space<vmem>>, vector<16xf32>,
      %swap3A_140 = arith.index_cast %scan3A_100 : i32 to index
      %swap3A_141 = arith.constant 96 : index
      %swap3A_142 = tpu.vector_load %arg14[%swap3A_140, %swap3A_141] {strides = array<i32>} : memref<128x128xf32, #tpu.memory_space<vmem>>, vector<16xf32>,
      tpu.vector_store %arg14[%swap3A_140, %swap3A_141], %broadcast_in_dim3A_3 {strides = array<i32>} : memref<128x128xf32, #tpu.memory_space<vmem>>, vector<16xf32>,
      %swap3A_143 = arith.index_cast %scan3A_100 : i32 to index
      %swap3A_144 = arith.constant 112 : index
      %swap3A_145 = tpu.vector_load %arg13[%swap3A_143, %swap3A_144] {strides = array<i32>} : memref<128x128xf32, #tpu.memory_space<vmem>>, vector<16xf32>,
      tpu.vector_store %arg13[%swap3A_143, %swap3A_144], %broadcast_in_dim3A_3 {strides = array<i32>} : memref<128x128xf32, #tpu.memory_space<vmem>>, vector<16xf32>,
      %swap3A_146 = arith.index_cast %scan3A_100 : i32 to index
      %swap3A_147 = arith.constant 112 : index
      %swap3A_148 = tpu.vector_load %arg14[%swap3A_146, %swap3A_147] {strides = array<i32>} : memref<128x128xf32, #tpu.memory_space<vmem>>, vector<16xf32>,
      tpu.vector_store %arg14[%swap3A_146, %swap3A_147], %broadcast_in_dim3A_3 {strides = array<i32>} : memref<128x128xf32, #tpu.memory_space<vmem>>, vector<16xf32>,
    }
    %scan3A_10 = arith.constant 128 : i32
    %swap3A = arith.constant 0 : index
    %swap3A_11 = tpu.vector_load %arg9[%swap3A] {strides = array<i32>} : memref<128xi32, #tpu.memory_space<vmem>>, vector<16xi32>,
    tpu.vector_store %arg9[%swap3A], %broadcast_in_dim3A_5 {strides = array<i32>} : memref<128xi32, #tpu.memory_space<vmem>>, vector<16xi32>,
    %swap3A_12 = arith.constant 0 : index
    %swap3A_13 = tpu.vector_load %arg10[%swap3A_12] {strides = array<i32>} : memref<128xi32, #tpu.memory_space<vmem>>, vector<16xi32>,
    tpu.vector_store %arg10[%swap3A_12], %broadcast_in_dim3A_5 {strides = array<i32>} : memref<128xi32, #tpu.memory_space<vmem>>, vector<16xi32>,
    %swap3A_14 = arith.constant 16 : index
    %swap3A_15 = tpu.vector_load %arg9[%swap3A_14] {strides = array<i32>} : memref<128xi32, #tpu.memory_space<vmem>>, vector<16xi32>,
    tpu.vector_store %arg9[%swap3A_14], %broadcast_in_dim3A_5 {strides = array<i32>} : memref<128xi32, #tpu.memory_space<vmem>>, vector<16xi32>,
    %swap3A_16 = arith.constant 16 : index
    %swap3A_17 = tpu.vector_load %arg10[%swap3A_16] {strides = array<i32>} : memref<128xi32, #tpu.memory_space<vmem>>, vector<16xi32>,
    tpu.vector_store %arg10[%swap3A_16], %broadcast_in_dim3A_5 {strides = array<i32>} : memref<128xi32, #tpu.memory_space<vmem>>, vector<16xi32>,
    %swap3A_18 = arith.constant 32 : index
    %swap3A_19 = tpu.vector_load %arg9[%swap3A_18] {strides = array<i32>} : memref<128xi32, #tpu.memory_space<vmem>>, vector<16xi32>,
    tpu.vector_store %arg9[%swap3A_18], %broadcast_in_dim3A_5 {strides = array<i32>} : memref<128xi32, #tpu.memory_space<vmem>>, vector<16xi32>,
    %swap3A_20 = arith.constant 32 : index
    %swap3A_21 = tpu.vector_load %arg10[%swap3A_20] {strides = array<i32>} : memref<128xi32, #tpu.memory_space<vmem>>, vector<16xi32>,
    tpu.vector_store %arg10[%swap3A_20], %broadcast_in_dim3A_5 {strides = array<i32>} : memref<128xi32, #tpu.memory_space<vmem>>, vector<16xi32>,
    %swap3A_22 = arith.constant 48 : index
    %swap3A_23 = tpu.vector_load %arg9[%swap3A_22] {strides = array<i32>} : memref<128xi32, #tpu.memory_space<vmem>>, vector<16xi32>,
    tpu.vector_store %arg9[%swap3A_22], %broadcast_in_dim3A_5 {strides = array<i32>} : memref<128xi32, #tpu.memory_space<vmem>>, vector<16xi32>,
    %swap3A_24 = arith.constant 48 : index
    %swap3A_25 = tpu.vector_load %arg10[%swap3A_24] {strides = array<i32>} : memref<128xi32, #tpu.memory_space<vmem>>, vector<16xi32>,
    tpu.vector_store %arg10[%swap3A_24], %broadcast_in_dim3A_5 {strides = array<i32>} : memref<128xi32, #tpu.memory_space<vmem>>, vector<16xi32>,
    %swap3A_26 = arith.constant 64 : index
    %swap3A_27 = tpu.vector_load %arg9[%swap3A_26] {strides = array<i32>} : memref<128xi32, #tpu.memory_space<vmem>>, vector<16xi32>,
    tpu.vector_store %arg9[%swap3A_26], %broadcast_in_dim3A_5 {strides = array<i32>} : memref<128xi32, #tpu.memory_space<vmem>>, vector<16xi32>,
    %swap3A_28 = arith.constant 64 : index
    %swap3A_29 = tpu.vector_load %arg10[%swap3A_28] {strides = array<i32>} : memref<128xi32, #tpu.memory_space<vmem>>, vector<16xi32>,
    tpu.vector_store %arg10[%swap3A_28], %broadcast_in_dim3A_5 {strides = array<i32>} : memref<128xi32, #tpu.memory_space<vmem>>, vector<16xi32>,
    %swap3A_30 = arith.constant 80 : index
    %swap3A_31 = tpu.vector_load %arg9[%swap3A_30] {strides = array<i32>} : memref<128xi32, #tpu.memory_space<vmem>>, vector<16xi32>,
    tpu.vector_store %arg9[%swap3A_30], %broadcast_in_dim3A_5 {strides = array<i32>} : memref<128xi32, #tpu.memory_space<vmem>>, vector<16xi32>,
    %swap3A_32 = arith.constant 80 : index
    %swap3A_33 = tpu.vector_load %arg10[%swap3A_32] {strides = array<i32>} : memref<128xi32, #tpu.memory_space<vmem>>, vector<16xi32>,
    tpu.vector_store %arg10[%swap3A_32], %broadcast_in_dim3A_5 {strides = array<i32>} : memref<128xi32, #tpu.memory_space<vmem>>, vector<16xi32>,
    %swap3A_34 = arith.constant 96 : index
    %swap3A_35 = tpu.vector_load %arg9[%swap3A_34] {strides = array<i32>} : memref<128xi32, #tpu.memory_space<vmem>>, vector<16xi32>,
    tpu.vector_store %arg9[%swap3A_34], %broadcast_in_dim3A_5 {strides = array<i32>} : memref<128xi32, #tpu.memory_space<vmem>>, vector<16xi32>,
    %swap3A_36 = arith.constant 96 : index
    %swap3A_37 = tpu.vector_load %arg10[%swap3A_36] {strides = array<i32>} : memref<128xi32, #tpu.memory_space<vmem>>, vector<16xi32>,
    tpu.vector_store %arg10[%swap3A_36], %broadcast_in_dim3A_5 {strides = array<i32>} : memref<128xi32, #tpu.memory_space<vmem>>, vector<16xi32>,
    %swap3A_38 = arith.constant 112 : index
    %swap3A_39 = tpu.vector_load %arg9[%swap3A_38] {strides = array<i32>} : memref<128xi32, #tpu.memory_space<vmem>>, vector<16xi32>,
    tpu.vector_store %arg9[%swap3A_38], %broadcast_in_dim3A_5 {strides = array<i32>} : memref<128xi32, #tpu.memory_space<vmem>>, vector<16xi32>,
    %swap3A_40 = arith.constant 112 : index
    %swap3A_41 = tpu.vector_load %arg10[%swap3A_40] {strides = array<i32>} : memref<128xi32, #tpu.memory_space<vmem>>, vector<16xi32>,
    tpu.vector_store %arg10[%swap3A_40], %broadcast_in_dim3A_5 {strides = array<i32>} : memref<128xi32, #tpu.memory_space<vmem>>, vector<16xi32>,
    %mul3A_42 = arith.constant 640 : i32
    %mul3A_43 = arith.muli %arg1, %mul3A_42 : i32
    %add3A_44 = arith.constant 0 : i32
    %add3A_45 = arith.addi %mul3A_43, %add3A_44 : i32
    "tpu.region"() ({
      %run_scoped3A = tpu.sem_alloc : memref<!tpu.dma_semaphore, #tpu.memory_space<semaphore_mem>>
      %dma_start3A_100 = arith.constant 0 : i32
      %dma_start3A_101 = tpu.memref_slice %arg15[%add3A_45, %dma_start3A_100] : memref<10240x128xf32, #tpu.memory_space<vmem_shared>> -> memref<128x128xf32, #tpu.memory_space<vmem_shared>>
      %dma_start3A_102 = arith.constant 0 : i32
      %dma_start3A_103 = tpu.memref_slice %arg15[%add3A_45, %dma_start3A_102] : memref<10240x128xf32, #tpu.memory_space<vmem_shared>> -> memref<128x128xf32, #tpu.memory_space<vmem_shared>>
      tpu.enqueue_dma source(%arg13 : memref<128x128xf32, #tpu.memory_space<vmem>>) target(%dma_start3A_103 : memref<128x128xf32, #tpu.memory_space<vmem_shared>>) target_semaphore(%run_scoped3A : memref<!tpu.dma_semaphore, #tpu.memory_space<semaphore_mem>>)
      %dma_wait3A_104 = arith.constant 0 : i32
      %dma_wait3A_105 = tpu.memref_slice %arg15[%add3A_45, %dma_wait3A_104] : memref<10240x128xf32, #tpu.memory_space<vmem_shared>> -> memref<128x128xf32, #tpu.memory_space<vmem_shared>>
      %dma_wait3A_106 = arith.constant 0 : i32
      %dma_wait3A_107 = tpu.memref_slice %arg15[%add3A_45, %dma_wait3A_106] : memref<10240x128xf32, #tpu.memory_space<vmem_shared>> -> memref<128x128xf32, #tpu.memory_space<vmem_shared>>
      tpu.wait_dma2 semaphore(%run_scoped3A : memref<!tpu.dma_semaphore, #tpu.memory_space<semaphore_mem>>) src(%arg13 : memref<128x128xf32, #tpu.memory_space<vmem>>) dst(%dma_wait3A_107 : memref<128x128xf32, #tpu.memory_space<vmem_shared>>)
      tpu.yield
    }) : () -> ()
    %mul3A_46 = arith.constant 640 : i32
    %mul3A_47 = arith.muli %arg1, %mul3A_46 : i32
    %add3A_48 = arith.constant 128 : i32
    %add3A_49 = arith.addi %mul3A_47, %add3A_48 : i32
    "tpu.region"() ({
      %run_scoped3A = tpu.sem_alloc : memref<!tpu.dma_semaphore, #tpu.memory_space<semaphore_mem>>
      %dma_start3A_100 = arith.constant 0 : i32
      %dma_start3A_101 = tpu.memref_slice %arg15[%add3A_49, %dma_start3A_100] : memref<10240x128xf32, #tpu.memory_space<vmem_shared>> -> memref<128x128xf32, #tpu.memory_space<vmem_shared>>
      %dma_start3A_102 = arith.constant 0 : i32
      %dma_start3A_103 = tpu.memref_slice %arg15[%add3A_49, %dma_start3A_102] : memref<10240x128xf32, #tpu.memory_space<vmem_shared>> -> memref<128x128xf32, #tpu.memory_space<vmem_shared>>
      tpu.enqueue_dma source(%arg13 : memref<128x128xf32, #tpu.memory_space<vmem>>) target(%dma_start3A_103 : memref<128x128xf32, #tpu.memory_space<vmem_shared>>) target_semaphore(%run_scoped3A : memref<!tpu.dma_semaphore, #tpu.memory_space<semaphore_mem>>)
      %dma_wait3A_104 = arith.constant 0 : i32
      %dma_wait3A_105 = tpu.memref_slice %arg15[%add3A_49, %dma_wait3A_104] : memref<10240x128xf32, #tpu.memory_space<vmem_shared>> -> memref<128x128xf32, #tpu.memory_space<vmem_shared>>
      %dma_wait3A_106 = arith.constant 0 : i32
      %dma_wait3A_107 = tpu.memref_slice %arg15[%add3A_49, %dma_wait3A_106] : memref<10240x128xf32, #tpu.memory_space<vmem_shared>> -> memref<128x128xf32, #tpu.memory_space<vmem_shared>>
      tpu.wait_dma2 semaphore(%run_scoped3A : memref<!tpu.dma_semaphore, #tpu.memory_space<semaphore_mem>>) src(%arg13 : memref<128x128xf32, #tpu.memory_space<vmem>>) dst(%dma_wait3A_107 : memref<128x128xf32, #tpu.memory_space<vmem_shared>>)
      tpu.yield
    }) : () -> ()
    %mul3A_50 = arith.constant 640 : i32
    %mul3A_51 = arith.muli %arg1, %mul3A_50 : i32
    %add3A_52 = arith.constant 256 : i32
    %add3A_53 = arith.addi %mul3A_51, %add3A_52 : i32
    "tpu.region"() ({
      %run_scoped3A = tpu.sem_alloc : memref<!tpu.dma_semaphore, #tpu.memory_space<semaphore_mem>>
      %dma_start3A_100 = arith.constant 0 : i32
      %dma_start3A_101 = tpu.memref_slice %arg15[%add3A_53, %dma_start3A_100] : memref<10240x128xf32, #tpu.memory_space<vmem_shared>> -> memref<128x128xf32, #tpu.memory_space<vmem_shared>>
      %dma_start3A_102 = arith.constant 0 : i32
      %dma_start3A_103 = tpu.memref_slice %arg15[%add3A_53, %dma_start3A_102] : memref<10240x128xf32, #tpu.memory_space<vmem_shared>> -> memref<128x128xf32, #tpu.memory_space<vmem_shared>>
      tpu.enqueue_dma source(%arg13 : memref<128x128xf32, #tpu.memory_space<vmem>>) target(%dma_start3A_103 : memref<128x128xf32, #tpu.memory_space<vmem_shared>>) target_semaphore(%run_scoped3A : memref<!tpu.dma_semaphore, #tpu.memory_space<semaphore_mem>>)
      %dma_wait3A_104 = arith.constant 0 : i32
      %dma_wait3A_105 = tpu.memref_slice %arg15[%add3A_53, %dma_wait3A_104] : memref<10240x128xf32, #tpu.memory_space<vmem_shared>> -> memref<128x128xf32, #tpu.memory_space<vmem_shared>>
      %dma_wait3A_106 = arith.constant 0 : i32
      %dma_wait3A_107 = tpu.memref_slice %arg15[%add3A_53, %dma_wait3A_106] : memref<10240x128xf32, #tpu.memory_space<vmem_shared>> -> memref<128x128xf32, #tpu.memory_space<vmem_shared>>
      tpu.wait_dma2 semaphore(%run_scoped3A : memref<!tpu.dma_semaphore, #tpu.memory_space<semaphore_mem>>) src(%arg13 : memref<128x128xf32, #tpu.memory_space<vmem>>) dst(%dma_wait3A_107 : memref<128x128xf32, #tpu.memory_space<vmem_shared>>)
      tpu.yield
    }) : () -> ()
    %mul3A_54 = arith.constant 640 : i32
    %mul3A_55 = arith.muli %arg1, %mul3A_54 : i32
    %add3A_56 = arith.constant 384 : i32
    %add3A_57 = arith.addi %mul3A_55, %add3A_56 : i32
    "tpu.region"() ({
      %run_scoped3A = tpu.sem_alloc : memref<!tpu.dma_semaphore, #tpu.memory_space<semaphore_mem>>
      %dma_start3A_100 = arith.constant 0 : i32
      %dma_start3A_101 = tpu.memref_slice %arg15[%add3A_57, %dma_start3A_100] : memref<10240x128xf32, #tpu.memory_space<vmem_shared>> -> memref<128x128xf32, #tpu.memory_space<vmem_shared>>
      %dma_start3A_102 = arith.constant 0 : i32
      %dma_start3A_103 = tpu.memref_slice %arg15[%add3A_57, %dma_start3A_102] : memref<10240x128xf32, #tpu.memory_space<vmem_shared>> -> memref<128x128xf32, #tpu.memory_space<vmem_shared>>
      tpu.enqueue_dma source(%arg13 : memref<128x128xf32, #tpu.memory_space<vmem>>) target(%dma_start3A_103 : memref<128x128xf32, #tpu.memory_space<vmem_shared>>) target_semaphore(%run_scoped3A : memref<!tpu.dma_semaphore, #tpu.memory_space<semaphore_mem>>)
      %dma_wait3A_104 = arith.constant 0 : i32
      %dma_wait3A_105 = tpu.memref_slice %arg15[%add3A_57, %dma_wait3A_104] : memref<10240x128xf32, #tpu.memory_space<vmem_shared>> -> memref<128x128xf32, #tpu.memory_space<vmem_shared>>
      %dma_wait3A_106 = arith.constant 0 : i32
      %dma_wait3A_107 = tpu.memref_slice %arg15[%add3A_57, %dma_wait3A_106] : memref<10240x128xf32, #tpu.memory_space<vmem_shared>> -> memref<128x128xf32, #tpu.memory_space<vmem_shared>>
      tpu.wait_dma2 semaphore(%run_scoped3A : memref<!tpu.dma_semaphore, #tpu.memory_space<semaphore_mem>>) src(%arg13 : memref<128x128xf32, #tpu.memory_space<vmem>>) dst(%dma_wait3A_107 : memref<128x128xf32, #tpu.memory_space<vmem_shared>>)
      tpu.yield
    }) : () -> ()
    %mul3A_58 = arith.constant 640 : i32
    %mul3A_59 = arith.muli %arg1, %mul3A_58 : i32
    %add3A_60 = arith.constant 512 : i32
    %add3A_61 = arith.addi %mul3A_59, %add3A_60 : i32
    "tpu.region"() ({
      %run_scoped3A = tpu.sem_alloc : memref<!tpu.dma_semaphore, #tpu.memory_space<semaphore_mem>>
      %dma_start3A_100 = arith.constant 0 : i32
      %dma_start3A_101 = tpu.memref_slice %arg15[%add3A_61, %dma_start3A_100] : memref<10240x128xf32, #tpu.memory_space<vmem_shared>> -> memref<128x128xf32, #tpu.memory_space<vmem_shared>>
      %dma_start3A_102 = arith.constant 0 : i32
      %dma_start3A_103 = tpu.memref_slice %arg15[%add3A_61, %dma_start3A_102] : memref<10240x128xf32, #tpu.memory_space<vmem_shared>> -> memref<128x128xf32, #tpu.memory_space<vmem_shared>>
      tpu.enqueue_dma source(%arg13 : memref<128x128xf32, #tpu.memory_space<vmem>>) target(%dma_start3A_103 : memref<128x128xf32, #tpu.memory_space<vmem_shared>>) target_semaphore(%run_scoped3A : memref<!tpu.dma_semaphore, #tpu.memory_space<semaphore_mem>>)
      %dma_wait3A_104 = arith.constant 0 : i32
      %dma_wait3A_105 = tpu.memref_slice %arg15[%add3A_61, %dma_wait3A_104] : memref<10240x128xf32, #tpu.memory_space<vmem_shared>> -> memref<128x128xf32, #tpu.memory_space<vmem_shared>>
      %dma_wait3A_106 = arith.constant 0 : i32
      %dma_wait3A_107 = tpu.memref_slice %arg15[%add3A_61, %dma_wait3A_106] : memref<10240x128xf32, #tpu.memory_space<vmem_shared>> -> memref<128x128xf32, #tpu.memory_space<vmem_shared>>
      tpu.wait_dma2 semaphore(%run_scoped3A : memref<!tpu.dma_semaphore, #tpu.memory_space<semaphore_mem>>) src(%arg13 : memref<128x128xf32, #tpu.memory_space<vmem>>) dst(%dma_wait3A_107 : memref<128x128xf32, #tpu.memory_space<vmem_shared>>)
      tpu.yield
    }) : () -> ()
    %barrier3A = arith.constant 0 : index
    tpu.barrier barrier_id(%barrier3A)
    %dma_start3A = arith.constant 0 : i32
    %dma_start3A_62 = arith.constant 0 : i32
    %dma_start3A_63 = tpu.memref_slice %arg15[%dma_start3A, %dma_start3A_62] : memref<10240x128xf32, #tpu.memory_space<vmem_shared>> -> memref<10240x128xf32, #tpu.memory_space<vmem_shared>>
    tpu.enqueue_indirect_dma source(%arg13 : memref<128x128xf32, #tpu.memory_space<vmem>>) target(%dma_start3A_63 : memref<10240x128xf32, #tpu.memory_space<vmem_shared>>) offsets(%arg9 : memref<128xi32, #tpu.memory_space<vmem>>) semaphore(%arg18 : memref<!tpu.dma_semaphore, #tpu.memory_space<semaphore_mem>>) {add = true}
    %dma_start3A_64 = arith.constant 0 : i32
    %dma_start3A_65 = arith.constant 0 : i32
    %dma_start3A_66 = tpu.memref_slice %arg15[%dma_start3A_64, %dma_start3A_65] : memref<10240x128xf32, #tpu.memory_space<vmem_shared>> -> memref<10240x128xf32, #tpu.memory_space<vmem_shared>>
    tpu.enqueue_indirect_dma source(%arg14 : memref<128x128xf32, #tpu.memory_space<vmem>>) target(%dma_start3A_66 : memref<10240x128xf32, #tpu.memory_space<vmem_shared>>) offsets(%arg10 : memref<128xi32, #tpu.memory_space<vmem>>) semaphore(%arg19 : memref<!tpu.dma_semaphore, #tpu.memory_space<semaphore_mem>>) {add = true}
    %dma_wait3A = arith.constant 0 : i32
    %dma_wait3A_67 = arith.constant 0 : i32
    %dma_wait3A_68 = tpu.memref_slice %arg2[%dma_wait3A, %dma_wait3A_67] : memref<10000x128xf32, #tpu.memory_space<hbm>> -> memref<128x128xf32, #tpu.memory_space<hbm>>
    %dma_wait3A_69 = arith.constant 0 : i32
    %dma_wait3A_70 = arith.constant 0 : i32
    %dma_wait3A_71 = tpu.memref_slice %arg2[%dma_wait3A_69, %dma_wait3A_70] : memref<10000x128xf32, #tpu.memory_space<hbm>> -> memref<128x128xf32, #tpu.memory_space<hbm>>
    tpu.wait_dma2 semaphore(%arg18 : memref<!tpu.dma_semaphore, #tpu.memory_space<semaphore_mem>>) src(%dma_wait3A_71 : memref<128x128xf32, #tpu.memory_space<hbm>>) dst(%arg13 : memref<128x128xf32, #tpu.memory_space<vmem>>)
    %add3A_72 = arith.constant 0 : i32
    %add3A_73 = arith.addi %mul3A_2, %add3A_72 : i32
    "tpu.region"() ({
      %run_scoped3A = tpu.sem_alloc : memref<!tpu.dma_semaphore, #tpu.memory_space<semaphore_mem>>
      %dma_start3A_100 = tpu.memref_slice %arg3[%add3A_73] : memref<323584xi32, #tpu.memory_space<hbm>> -> memref<128xi32, #tpu.memory_space<hbm>>
      %dma_start3A_101 = tpu.memref_slice %arg3[%add3A_73] : memref<323584xi32, #tpu.memory_space<hbm>> -> memref<128xi32, #tpu.memory_space<hbm>>
      tpu.enqueue_dma source(%dma_start3A_101 : memref<128xi32, #tpu.memory_space<hbm>>) target(%arg7 : memref<128xi32, #tpu.memory_space<vmem>>) target_semaphore(%run_scoped3A : memref<!tpu.dma_semaphore, #tpu.memory_space<semaphore_mem>>)
      %dma_wait3A_102 = tpu.memref_slice %arg3[%add3A_73] : memref<323584xi32, #tpu.memory_space<hbm>> -> memref<128xi32, #tpu.memory_space<hbm>>
      %dma_wait3A_103 = tpu.memref_slice %arg3[%add3A_73] : memref<323584xi32, #tpu.memory_space<hbm>> -> memref<128xi32, #tpu.memory_space<hbm>>
      tpu.wait_dma2 semaphore(%run_scoped3A : memref<!tpu.dma_semaphore, #tpu.memory_space<semaphore_mem>>) src(%dma_wait3A_103 : memref<128xi32, #tpu.memory_space<hbm>>) dst(%arg7 : memref<128xi32, #tpu.memory_space<vmem>>)
      tpu.yield
    }) : () -> ()
    "tpu.region"() ({
      %run_scoped3A = tpu.sem_alloc : memref<!tpu.dma_semaphore, #tpu.memory_space<semaphore_mem>>
      %dma_start3A_100 = tpu.memref_slice %arg4[%add3A_73] : memref<323584xi32, #tpu.memory_space<hbm>> -> memref<128xi32, #tpu.memory_space<hbm>>
      %dma_start3A_101 = tpu.memref_slice %arg4[%add3A_73] : memref<323584xi32, #tpu.memory_space<hbm>> -> memref<128xi32, #tpu.memory_space<hbm>>
      tpu.enqueue_dma source(%dma_start3A_101 : memref<128xi32, #tpu.memory_space<hbm>>) target(%arg9 : memref<128xi32, #tpu.memory_space<vmem>>) target_semaphore(%run_scoped3A : memref<!tpu.dma_semaphore, #tpu.memory_space<semaphore_mem>>)
      %dma_wait3A_102 = tpu.memref_slice %arg4[%add3A_73] : memref<323584xi32, #tpu.memory_space<hbm>> -> memref<128xi32, #tpu.memory_space<hbm>>
      %dma_wait3A_103 = tpu.memref_slice %arg4[%add3A_73] : memref<323584xi32, #tpu.memory_space<hbm>> -> memref<128xi32, #tpu.memory_space<hbm>>
      tpu.wait_dma2 semaphore(%run_scoped3A : memref<!tpu.dma_semaphore, #tpu.memory_space<semaphore_mem>>) src(%dma_wait3A_103 : memref<128xi32, #tpu.memory_space<hbm>>) dst(%arg9 : memref<128xi32, #tpu.memory_space<vmem>>)
      tpu.yield
    }) : () -> ()
    "tpu.region"() ({
      %run_scoped3A = tpu.sem_alloc : memref<!tpu.dma_semaphore, #tpu.memory_space<semaphore_mem>>
      %dma_start3A_100 = tpu.memref_slice %arg5[%add3A_73] : memref<323584xf32, #tpu.memory_space<hbm>> -> memref<128xf32, #tpu.memory_space<hbm>>
      %dma_start3A_101 = tpu.memref_slice %arg5[%add3A_73] : memref<323584xf32, #tpu.memory_space<hbm>> -> memref<128xf32, #tpu.memory_space<hbm>>
      tpu.enqueue_dma source(%dma_start3A_101 : memref<128xf32, #tpu.memory_space<hbm>>) target(%arg11 : memref<128xf32, #tpu.memory_space<vmem>>) target_semaphore(%run_scoped3A : memref<!tpu.dma_semaphore, #tpu.memory_space<semaphore_mem>>)
      %dma_wait3A_102 = tpu.memref_slice %arg5[%add3A_73] : memref<323584xf32, #tpu.memory_space<hbm>> -> memref<128xf32, #tpu.memory_space<hbm>>
      %dma_wait3A_103 = tpu.memref_slice %arg5[%add3A_73] : memref<323584xf32, #tpu.memory_space<hbm>> -> memref<128xf32, #tpu.memory_space<hbm>>
      tpu.wait_dma2 semaphore(%run_scoped3A : memref<!tpu.dma_semaphore, #tpu.memory_space<semaphore_mem>>) src(%dma_wait3A_103 : memref<128xf32, #tpu.memory_space<hbm>>) dst(%arg11 : memref<128xf32, #tpu.memory_space<vmem>>)
      tpu.yield
    }) : () -> ()
    %dma_start3A_74 = arith.constant 0 : i32
    %dma_start3A_75 = arith.constant 0 : i32
    %dma_start3A_76 = tpu.memref_slice %arg2[%dma_start3A_74, %dma_start3A_75] : memref<10000x128xf32, #tpu.memory_space<hbm>> -> memref<10000x128xf32, #tpu.memory_space<hbm>>
    tpu.enqueue_indirect_dma source(%dma_start3A_76 : memref<10000x128xf32, #tpu.memory_space<hbm>>) target(%arg13 : memref<128x128xf32, #tpu.memory_space<vmem>>) offsets(%arg7 : memref<128xi32, #tpu.memory_space<vmem>>) semaphore(%arg16 : memref<!tpu.dma_semaphore, #tpu.memory_space<semaphore_mem>>)
    %scan3A_77 = arith.constant 0 : i32
    %scan3A_78 = arith.constant 0 : i32
    %scan3A_79 = arith.constant 40 : i32
    %scan3A_80 = arith.addi %scan3A_78, %scan3A_79 : i32
    %scan3A_81 = arith.constant 1 : i32
    scf.for %scan3A_100 = %scan3A_78 to %scan3A_80 step %scan3A_81  : i32 {
      %mul3A_101 = arith.constant 2 : i32
      %mul3A_102 = arith.muli %mul3A_101, %scan3A_100 : i32
      %add3A_103 = arith.constant 1 : i32
      %add3A_104 = arith.addi %mul3A_102, %add3A_103 : i32
      %lt3A = arith.constant 79 : i32
      %lt3A_105 = arith.cmpi slt, %add3A_104, %lt3A : i32
      %convert_element_type3A = arith.extui %lt3A_105 : i1 to i32
      %cond3A = arith.constant 0 : i32
      %cond3A_106 = arith.cmpi ne, %convert_element_type3A, %cond3A : i32
      scf.if %cond3A_106 {
        %add3A_136 = arith.constant 1 : i32
        %add3A_137 = arith.addi %mul3A_102, %add3A_136 : i32
        %dma_wait3A_138 = arith.constant 0 : i32
        %dma_wait3A_139 = arith.constant 0 : i32
        %dma_wait3A_140 = tpu.memref_slice %arg2[%dma_wait3A_138, %dma_wait3A_139] : memref<10000x128xf32, #tpu.memory_space<hbm>> -> memref<128x128xf32, #tpu.memory_space<hbm>>
        %dma_wait3A_141 = arith.constant 0 : i32
        %dma_wait3A_142 = arith.constant 0 : i32
        %dma_wait3A_143 = tpu.memref_slice %arg2[%dma_wait3A_141, %dma_wait3A_142] : memref<10000x128xf32, #tpu.memory_space<hbm>> -> memref<128x128xf32, #tpu.memory_space<hbm>>
        tpu.wait_dma2 semaphore(%arg19 : memref<!tpu.dma_semaphore, #tpu.memory_space<semaphore_mem>>) src(%dma_wait3A_143 : memref<128x128xf32, #tpu.memory_space<hbm>>) dst(%arg14 : memref<128x128xf32, #tpu.memory_space<vmem>>)
        %mul3A_144 = arith.constant 128 : i32
        %mul3A_145 = arith.muli %add3A_137, %mul3A_144 : i32
        %add3A_146 = arith.addi %mul3A_2, %mul3A_145 : i32
        "tpu.region"() ({
          %run_scoped3A = tpu.sem_alloc : memref<!tpu.dma_semaphore, #tpu.memory_space<semaphore_mem>>
          %dma_start3A_150 = tpu.memref_slice %arg3[%add3A_146] : memref<323584xi32, #tpu.memory_space<hbm>> -> memref<128xi32, #tpu.memory_space<hbm>>
          %dma_start3A_151 = tpu.memref_slice %arg3[%add3A_146] : memref<323584xi32, #tpu.memory_space<hbm>> -> memref<128xi32, #tpu.memory_space<hbm>>
          tpu.enqueue_dma source(%dma_start3A_151 : memref<128xi32, #tpu.memory_space<hbm>>) target(%arg8 : memref<128xi32, #tpu.memory_space<vmem>>) target_semaphore(%run_scoped3A : memref<!tpu.dma_semaphore, #tpu.memory_space<semaphore_mem>>)
          %dma_wait3A_152 = tpu.memref_slice %arg3[%add3A_146] : memref<323584xi32, #tpu.memory_space<hbm>> -> memref<128xi32, #tpu.memory_space<hbm>>
          %dma_wait3A_153 = tpu.memref_slice %arg3[%add3A_146] : memref<323584xi32, #tpu.memory_space<hbm>> -> memref<128xi32, #tpu.memory_space<hbm>>
          tpu.wait_dma2 semaphore(%run_scoped3A : memref<!tpu.dma_semaphore, #tpu.memory_space<semaphore_mem>>) src(%dma_wait3A_153 : memref<128xi32, #tpu.memory_space<hbm>>) dst(%arg8 : memref<128xi32, #tpu.memory_space<vmem>>)
          tpu.yield
        }) : () -> ()
        "tpu.region"() ({
          %run_scoped3A = tpu.sem_alloc : memref<!tpu.dma_semaphore, #tpu.memory_space<semaphore_mem>>
          %dma_start3A_150 = tpu.memref_slice %arg4[%add3A_146] : memref<323584xi32, #tpu.memory_space<hbm>> -> memref<128xi32, #tpu.memory_space<hbm>>
          %dma_start3A_151 = tpu.memref_slice %arg4[%add3A_146] : memref<323584xi32, #tpu.memory_space<hbm>> -> memref<128xi32, #tpu.memory_space<hbm>>
          tpu.enqueue_dma source(%dma_start3A_151 : memref<128xi32, #tpu.memory_space<hbm>>) target(%arg10 : memref<128xi32, #tpu.memory_space<vmem>>) target_semaphore(%run_scoped3A : memref<!tpu.dma_semaphore, #tpu.memory_space<semaphore_mem>>)
          %dma_wait3A_152 = tpu.memref_slice %arg4[%add3A_146] : memref<323584xi32, #tpu.memory_space<hbm>> -> memref<128xi32, #tpu.memory_space<hbm>>
          %dma_wait3A_153 = tpu.memref_slice %arg4[%add3A_146] : memref<323584xi32, #tpu.memory_space<hbm>> -> memref<128xi32, #tpu.memory_space<hbm>>
          tpu.wait_dma2 semaphore(%run_scoped3A : memref<!tpu.dma_semaphore, #tpu.memory_space<semaphore_mem>>) src(%dma_wait3A_153 : memref<128xi32, #tpu.memory_space<hbm>>) dst(%arg10 : memref<128xi32, #tpu.memory_space<vmem>>)
          tpu.yield
        }) : () -> ()
        "tpu.region"() ({
          %run_scoped3A = tpu.sem_alloc : memref<!tpu.dma_semaphore, #tpu.memory_space<semaphore_mem>>
          %dma_start3A_150 = tpu.memref_slice %arg5[%add3A_146] : memref<323584xf32, #tpu.memory_space<hbm>> -> memref<128xf32, #tpu.memory_space<hbm>>
          %dma_start3A_151 = tpu.memref_slice %arg5[%add3A_146] : memref<323584xf32, #tpu.memory_space<hbm>> -> memref<128xf32, #tpu.memory_space<hbm>>
          tpu.enqueue_dma source(%dma_start3A_151 : memref<128xf32, #tpu.memory_space<hbm>>) target(%arg12 : memref<128xf32, #tpu.memory_space<vmem>>) target_semaphore(%run_scoped3A : memref<!tpu.dma_semaphore, #tpu.memory_space<semaphore_mem>>)
          %dma_wait3A_152 = tpu.memref_slice %arg5[%add3A_146] : memref<323584xf32, #tpu.memory_space<hbm>> -> memref<128xf32, #tpu.memory_space<hbm>>
          %dma_wait3A_153 = tpu.memref_slice %arg5[%add3A_146] : memref<323584xf32, #tpu.memory_space<hbm>> -> memref<128xf32, #tpu.memory_space<hbm>>
          tpu.wait_dma2 semaphore(%run_scoped3A : memref<!tpu.dma_semaphore, #tpu.memory_space<semaphore_mem>>) src(%dma_wait3A_153 : memref<128xf32, #tpu.memory_space<hbm>>) dst(%arg12 : memref<128xf32, #tpu.memory_space<vmem>>)
          tpu.yield
        }) : () -> ()
        %dma_start3A_147 = arith.constant 0 : i32
        %dma_start3A_148 = arith.constant 0 : i32
        %dma_start3A_149 = tpu.memref_slice %arg2[%dma_start3A_147, %dma_start3A_148] : memref<10000x128xf32, #tpu.memory_space<hbm>> -> memref<10000x128xf32, #tpu.memory_space<hbm>>
        tpu.enqueue_indirect_dma source(%dma_start3A_149 : memref<10000x128xf32, #tpu.memory_space<hbm>>) target(%arg14 : memref<128x128xf32, #tpu.memory_space<vmem>>) offsets(%arg8 : memref<128xi32, #tpu.memory_space<vmem>>) semaphore(%arg17 : memref<!tpu.dma_semaphore, #tpu.memory_space<semaphore_mem>>)
      } else {
      }
      %dma_wait3A_107 = arith.constant 0 : i32
      %dma_wait3A_108 = arith.constant 0 : i32
      %dma_wait3A_109 = tpu.memref_slice %arg2[%dma_wait3A_107, %dma_wait3A_108] : memref<10000x128xf32, #tpu.memory_space<hbm>> -> memref<128x128xf32, #tpu.memory_space<hbm>>
      %dma_wait3A_110 = arith.constant 0 : i32
      %dma_wait3A_111 = arith.constant 0 : i32
      %dma_wait3A_112 = tpu.memref_slice %arg2[%dma_wait3A_110, %dma_wait3A_111] : memref<10000x128xf32, #tpu.memory_space<hbm>> -> memref<128x128xf32, #tpu.memory_space<hbm>>
      tpu.wait_dma2 semaphore(%arg16 : memref<!tpu.dma_semaphore, #tpu.memory_space<semaphore_mem>>) src(%dma_wait3A_112 : memref<128x128xf32, #tpu.memory_space<hbm>>) dst(%arg13 : memref<128x128xf32, #tpu.memory_space<vmem>>)
      %scan3A_113 = arith.constant 0 : i32
      %scan3A_114 = arith.constant 0 : i32
      %scan3A_115 = arith.constant 32 : i32
      %scan3A_116 = arith.addi %scan3A_114, %scan3A_115 : i32
      %scan3A_117 = arith.constant 1 : i32
      scf.for %scan3A_136 = %scan3A_114 to %scan3A_116 step %scan3A_117  : i32 {
        %mul3A_137 = arith.constant 4 : i32
        %mul3A_138 = arith.muli %scan3A_136, %mul3A_137 : i32
        %add3A_139 = arith.constant 0 : i32
        %add3A_140 = arith.addi %mul3A_138, %add3A_139 : i32
        %broadcast_in_dim3A_141 = vector.broadcast %add3A_140 : i32 to vector<16xi32>
        %gather3A = tpu.vector_load_idx %arg11[%broadcast_in_dim3A_141] : memref<128xf32, #tpu.memory_space<vmem>>[vector<16xi32>], vector<16xf32>,
        %get3A = arith.index_cast %add3A_140 : i32 to index
        %get3A_142 = arith.constant 0 : index
        %get3A_143 = tpu.vector_load %arg13[%get3A, %get3A_142] {strides = array<i32>} : memref<128x128xf32, #tpu.memory_space<vmem>>, vector<16xf32>,
        %mul3A_144 = arith.mulf %get3A_143, %gather3A : vector<16xf32>
        %swap3A_145 = arith.index_cast %add3A_140 : i32 to index
        %swap3A_146 = arith.constant 0 : index
        %swap3A_147 = tpu.vector_load %arg13[%swap3A_145, %swap3A_146] {strides = array<i32>} : memref<128x128xf32, #tpu.memory_space<vmem>>, vector<16xf32>,
        tpu.vector_store %arg13[%swap3A_145, %swap3A_146], %mul3A_144 {strides = array<i32>} : memref<128x128xf32, #tpu.memory_space<vmem>>, vector<16xf32>,
        %get3A_148 = arith.index_cast %add3A_140 : i32 to index
        %get3A_149 = arith.constant 16 : index
        %get3A_150 = tpu.vector_load %arg13[%get3A_148, %get3A_149] {strides = array<i32>} : memref<128x128xf32, #tpu.memory_space<vmem>>, vector<16xf32>,
        %mul3A_151 = arith.mulf %get3A_150, %gather3A : vector<16xf32>
        %swap3A_152 = arith.index_cast %add3A_140 : i32 to index
        %swap3A_153 = arith.constant 16 : index
        %swap3A_154 = tpu.vector_load %arg13[%swap3A_152, %swap3A_153] {strides = array<i32>} : memref<128x128xf32, #tpu.memory_space<vmem>>, vector<16xf32>,
        tpu.vector_store %arg13[%swap3A_152, %swap3A_153], %mul3A_151 {strides = array<i32>} : memref<128x128xf32, #tpu.memory_space<vmem>>, vector<16xf32>,
        %get3A_155 = arith.index_cast %add3A_140 : i32 to index
        %get3A_156 = arith.constant 32 : index
        %get3A_157 = tpu.vector_load %arg13[%get3A_155, %get3A_156] {strides = array<i32>} : memref<128x128xf32, #tpu.memory_space<vmem>>, vector<16xf32>,
        %mul3A_158 = arith.mulf %get3A_157, %gather3A : vector<16xf32>
        %swap3A_159 = arith.index_cast %add3A_140 : i32 to index
        %swap3A_160 = arith.constant 32 : index
        %swap3A_161 = tpu.vector_load %arg13[%swap3A_159, %swap3A_160] {strides = array<i32>} : memref<128x128xf32, #tpu.memory_space<vmem>>, vector<16xf32>,
        tpu.vector_store %arg13[%swap3A_159, %swap3A_160], %mul3A_158 {strides = array<i32>} : memref<128x128xf32, #tpu.memory_space<vmem>>, vector<16xf32>,
        %get3A_162 = arith.index_cast %add3A_140 : i32 to index
        %get3A_163 = arith.constant 48 : index
        %get3A_164 = tpu.vector_load %arg13[%get3A_162, %get3A_163] {strides = array<i32>} : memref<128x128xf32, #tpu.memory_space<vmem>>, vector<16xf32>,
        %mul3A_165 = arith.mulf %get3A_164, %gather3A : vector<16xf32>
        %swap3A_166 = arith.index_cast %add3A_140 : i32 to index
        %swap3A_167 = arith.constant 48 : index
        %swap3A_168 = tpu.vector_load %arg13[%swap3A_166, %swap3A_167] {strides = array<i32>} : memref<128x128xf32, #tpu.memory_space<vmem>>, vector<16xf32>,
        tpu.vector_store %arg13[%swap3A_166, %swap3A_167], %mul3A_165 {strides = array<i32>} : memref<128x128xf32, #tpu.memory_space<vmem>>, vector<16xf32>,
        %get3A_169 = arith.index_cast %add3A_140 : i32 to index
        %get3A_170 = arith.constant 64 : index
        %get3A_171 = tpu.vector_load %arg13[%get3A_169, %get3A_170] {strides = array<i32>} : memref<128x128xf32, #tpu.memory_space<vmem>>, vector<16xf32>,
        %mul3A_172 = arith.mulf %get3A_171, %gather3A : vector<16xf32>
        %swap3A_173 = arith.index_cast %add3A_140 : i32 to index
        %swap3A_174 = arith.constant 64 : index
        %swap3A_175 = tpu.vector_load %arg13[%swap3A_173, %swap3A_174] {strides = array<i32>} : memref<128x128xf32, #tpu.memory_space<vmem>>, vector<16xf32>,
        tpu.vector_store %arg13[%swap3A_173, %swap3A_174], %mul3A_172 {strides = array<i32>} : memref<128x128xf32, #tpu.memory_space<vmem>>, vector<16xf32>,
        %get3A_176 = arith.index_cast %add3A_140 : i32 to index
        %get3A_177 = arith.constant 80 : index
        %get3A_178 = tpu.vector_load %arg13[%get3A_176, %get3A_177] {strides = array<i32>} : memref<128x128xf32, #tpu.memory_space<vmem>>, vector<16xf32>,
        %mul3A_179 = arith.mulf %get3A_178, %gather3A : vector<16xf32>
        %swap3A_180 = arith.index_cast %add3A_140 : i32 to index
        %swap3A_181 = arith.constant 80 : index
        %swap3A_182 = tpu.vector_load %arg13[%swap3A_180, %swap3A_181] {strides = array<i32>} : memref<128x128xf32, #tpu.memory_space<vmem>>, vector<16xf32>,
        tpu.vector_store %arg13[%swap3A_180, %swap3A_181], %mul3A_179 {strides = array<i32>} : memref<128x128xf32, #tpu.memory_space<vmem>>, vector<16xf32>,
        %get3A_183 = arith.index_cast %add3A_140 : i32 to index
        %get3A_184 = arith.constant 96 : index
        %get3A_185 = tpu.vector_load %arg13[%get3A_183, %get3A_184] {strides = array<i32>} : memref<128x128xf32, #tpu.memory_space<vmem>>, vector<16xf32>,
        %mul3A_186 = arith.mulf %get3A_185, %gather3A : vector<16xf32>
        %swap3A_187 = arith.index_cast %add3A_140 : i32 to index
        %swap3A_188 = arith.constant 96 : index
        %swap3A_189 = tpu.vector_load %arg13[%swap3A_187, %swap3A_188] {strides = array<i32>} : memref<128x128xf32, #tpu.memory_space<vmem>>, vector<16xf32>,
        tpu.vector_store %arg13[%swap3A_187, %swap3A_188], %mul3A_186 {strides = array<i32>} : memref<128x128xf32, #tpu.memory_space<vmem>>, vector<16xf32>,
        %get3A_190 = arith.index_cast %add3A_140 : i32 to index
        %get3A_191 = arith.constant 112 : index
        %get3A_192 = tpu.vector_load %arg13[%get3A_190, %get3A_191] {strides = array<i32>} : memref<128x128xf32, #tpu.memory_space<vmem>>, vector<16xf32>,
        %mul3A_193 = arith.mulf %get3A_192, %gather3A : vector<16xf32>
        %swap3A_194 = arith.index_cast %add3A_140 : i32 to index
        %swap3A_195 = arith.constant 112 : index
        %swap3A_196 = tpu.vector_load %arg13[%swap3A_194, %swap3A_195] {strides = array<i32>} : memref<128x128xf32, #tpu.memory_space<vmem>>, vector<16xf32>,
        tpu.vector_store %arg13[%swap3A_194, %swap3A_195], %mul3A_193 {strides = array<i32>} : memref<128x128xf32, #tpu.memory_space<vmem>>, vector<16xf32>,
        %mul3A_197 = arith.constant 4 : i32
        %mul3A_198 = arith.muli %scan3A_136, %mul3A_197 : i32
        %add3A_199 = arith.constant 1 : i32
        %add3A_200 = arith.addi %mul3A_198, %add3A_199 : i32
        %broadcast_in_dim3A_201 = vector.broadcast %add3A_200 : i32 to vector<16xi32>
        %gather3A_202 = tpu.vector_load_idx %arg11[%broadcast_in_dim3A_201] : memref<128xf32, #tpu.memory_space<vmem>>[vector<16xi32>], vector<16xf32>,
        %get3A_203 = arith.index_cast %add3A_200 : i32 to index
        %get3A_204 = arith.constant 0 : index
        %get3A_205 = tpu.vector_load %arg13[%get3A_203, %get3A_204] {strides = array<i32>} : memref<128x128xf32, #tpu.memory_space<vmem>>, vector<16xf32>,
        %mul3A_206 = arith.mulf %get3A_205, %gather3A_202 : vector<16xf32>
        %swap3A_207 = arith.index_cast %add3A_200 : i32 to index
        %swap3A_208 = arith.constant 0 : index
        %swap3A_209 = tpu.vector_load %arg13[%swap3A_207, %swap3A_208] {strides = array<i32>} : memref<128x128xf32, #tpu.memory_space<vmem>>, vector<16xf32>,
        tpu.vector_store %arg13[%swap3A_207, %swap3A_208], %mul3A_206 {strides = array<i32>} : memref<128x128xf32, #tpu.memory_space<vmem>>, vector<16xf32>,
        %get3A_210 = arith.index_cast %add3A_200 : i32 to index
        %get3A_211 = arith.constant 16 : index
        %get3A_212 = tpu.vector_load %arg13[%get3A_210, %get3A_211] {strides = array<i32>} : memref<128x128xf32, #tpu.memory_space<vmem>>, vector<16xf32>,
        %mul3A_213 = arith.mulf %get3A_212, %gather3A_202 : vector<16xf32>
        %swap3A_214 = arith.index_cast %add3A_200 : i32 to index
        %swap3A_215 = arith.constant 16 : index
        %swap3A_216 = tpu.vector_load %arg13[%swap3A_214, %swap3A_215] {strides = array<i32>} : memref<128x128xf32, #tpu.memory_space<vmem>>, vector<16xf32>,
        tpu.vector_store %arg13[%swap3A_214, %swap3A_215], %mul3A_213 {strides = array<i32>} : memref<128x128xf32, #tpu.memory_space<vmem>>, vector<16xf32>,
        %get3A_217 = arith.index_cast %add3A_200 : i32 to index
        %get3A_218 = arith.constant 32 : index
        %get3A_219 = tpu.vector_load %arg13[%get3A_217, %get3A_218] {strides = array<i32>} : memref<128x128xf32, #tpu.memory_space<vmem>>, vector<16xf32>,
        %mul3A_220 = arith.mulf %get3A_219, %gather3A_202 : vector<16xf32>
        %swap3A_221 = arith.index_cast %add3A_200 : i32 to index
        %swap3A_222 = arith.constant 32 : index
        %swap3A_223 = tpu.vector_load %arg13[%swap3A_221, %swap3A_222] {strides = array<i32>} : memref<128x128xf32, #tpu.memory_space<vmem>>, vector<16xf32>,
        tpu.vector_store %arg13[%swap3A_221, %swap3A_222], %mul3A_220 {strides = array<i32>} : memref<128x128xf32, #tpu.memory_space<vmem>>, vector<16xf32>,
        %get3A_224 = arith.index_cast %add3A_200 : i32 to index
        %get3A_225 = arith.constant 48 : index
        %get3A_226 = tpu.vector_load %arg13[%get3A_224, %get3A_225] {strides = array<i32>} : memref<128x128xf32, #tpu.memory_space<vmem>>, vector<16xf32>,
        %mul3A_227 = arith.mulf %get3A_226, %gather3A_202 : vector<16xf32>
        %swap3A_228 = arith.index_cast %add3A_200 : i32 to index
        %swap3A_229 = arith.constant 48 : index
        %swap3A_230 = tpu.vector_load %arg13[%swap3A_228, %swap3A_229] {strides = array<i32>} : memref<128x128xf32, #tpu.memory_space<vmem>>, vector<16xf32>,
        tpu.vector_store %arg13[%swap3A_228, %swap3A_229], %mul3A_227 {strides = array<i32>} : memref<128x128xf32, #tpu.memory_space<vmem>>, vector<16xf32>,
        %get3A_231 = arith.index_cast %add3A_200 : i32 to index
        %get3A_232 = arith.constant 64 : index
        %get3A_233 = tpu.vector_load %arg13[%get3A_231, %get3A_232] {strides = array<i32>} : memref<128x128xf32, #tpu.memory_space<vmem>>, vector<16xf32>,
        %mul3A_234 = arith.mulf %get3A_233, %gather3A_202 : vector<16xf32>
        %swap3A_235 = arith.index_cast %add3A_200 : i32 to index
        %swap3A_236 = arith.constant 64 : index
        %swap3A_237 = tpu.vector_load %arg13[%swap3A_235, %swap3A_236] {strides = array<i32>} : memref<128x128xf32, #tpu.memory_space<vmem>>, vector<16xf32>,
        tpu.vector_store %arg13[%swap3A_235, %swap3A_236], %mul3A_234 {strides = array<i32>} : memref<128x128xf32, #tpu.memory_space<vmem>>, vector<16xf32>,
        %get3A_238 = arith.index_cast %add3A_200 : i32 to index
        %get3A_239 = arith.constant 80 : index
        %get3A_240 = tpu.vector_load %arg13[%get3A_238, %get3A_239] {strides = array<i32>} : memref<128x128xf32, #tpu.memory_space<vmem>>, vector<16xf32>,
        %mul3A_241 = arith.mulf %get3A_240, %gather3A_202 : vector<16xf32>
        %swap3A_242 = arith.index_cast %add3A_200 : i32 to index
        %swap3A_243 = arith.constant 80 : index
        %swap3A_244 = tpu.vector_load %arg13[%swap3A_242, %swap3A_243] {strides = array<i32>} : memref<128x128xf32, #tpu.memory_space<vmem>>, vector<16xf32>,
        tpu.vector_store %arg13[%swap3A_242, %swap3A_243], %mul3A_241 {strides = array<i32>} : memref<128x128xf32, #tpu.memory_space<vmem>>, vector<16xf32>,
        %get3A_245 = arith.index_cast %add3A_200 : i32 to index
        %get3A_246 = arith.constant 96 : index
        %get3A_247 = tpu.vector_load %arg13[%get3A_245, %get3A_246] {strides = array<i32>} : memref<128x128xf32, #tpu.memory_space<vmem>>, vector<16xf32>,
        %mul3A_248 = arith.mulf %get3A_247, %gather3A_202 : vector<16xf32>
        %swap3A_249 = arith.index_cast %add3A_200 : i32 to index
        %swap3A_250 = arith.constant 96 : index
        %swap3A_251 = tpu.vector_load %arg13[%swap3A_249, %swap3A_250] {strides = array<i32>} : memref<128x128xf32, #tpu.memory_space<vmem>>, vector<16xf32>,
        tpu.vector_store %arg13[%swap3A_249, %swap3A_250], %mul3A_248 {strides = array<i32>} : memref<128x128xf32, #tpu.memory_space<vmem>>, vector<16xf32>,
        %get3A_252 = arith.index_cast %add3A_200 : i32 to index
        %get3A_253 = arith.constant 112 : index
        %get3A_254 = tpu.vector_load %arg13[%get3A_252, %get3A_253] {strides = array<i32>} : memref<128x128xf32, #tpu.memory_space<vmem>>, vector<16xf32>,
        %mul3A_255 = arith.mulf %get3A_254, %gather3A_202 : vector<16xf32>
        %swap3A_256 = arith.index_cast %add3A_200 : i32 to index
        %swap3A_257 = arith.constant 112 : index
        %swap3A_258 = tpu.vector_load %arg13[%swap3A_256, %swap3A_257] {strides = array<i32>} : memref<128x128xf32, #tpu.memory_space<vmem>>, vector<16xf32>,
        tpu.vector_store %arg13[%swap3A_256, %swap3A_257], %mul3A_255 {strides = array<i32>} : memref<128x128xf32, #tpu.memory_space<vmem>>, vector<16xf32>,
        %mul3A_259 = arith.constant 4 : i32
        %mul3A_260 = arith.muli %scan3A_136, %mul3A_259 : i32
        %add3A_261 = arith.constant 2 : i32
        %add3A_262 = arith.addi %mul3A_260, %add3A_261 : i32
        %broadcast_in_dim3A_263 = vector.broadcast %add3A_262 : i32 to vector<16xi32>
        %gather3A_264 = tpu.vector_load_idx %arg11[%broadcast_in_dim3A_263] : memref<128xf32, #tpu.memory_space<vmem>>[vector<16xi32>], vector<16xf32>,
        %get3A_265 = arith.index_cast %add3A_262 : i32 to index
        %get3A_266 = arith.constant 0 : index
        %get3A_267 = tpu.vector_load %arg13[%get3A_265, %get3A_266] {strides = array<i32>} : memref<128x128xf32, #tpu.memory_space<vmem>>, vector<16xf32>,
        %mul3A_268 = arith.mulf %get3A_267, %gather3A_264 : vector<16xf32>
        %swap3A_269 = arith.index_cast %add3A_262 : i32 to index
        %swap3A_270 = arith.constant 0 : index
        %swap3A_271 = tpu.vector_load %arg13[%swap3A_269, %swap3A_270] {strides = array<i32>} : memref<128x128xf32, #tpu.memory_space<vmem>>, vector<16xf32>,
        tpu.vector_store %arg13[%swap3A_269, %swap3A_270], %mul3A_268 {strides = array<i32>} : memref<128x128xf32, #tpu.memory_space<vmem>>, vector<16xf32>,
        %get3A_272 = arith.index_cast %add3A_262 : i32 to index
        %get3A_273 = arith.constant 16 : index
        %get3A_274 = tpu.vector_load %arg13[%get3A_272, %get3A_273] {strides = array<i32>} : memref<128x128xf32, #tpu.memory_space<vmem>>, vector<16xf32>,
        %mul3A_275 = arith.mulf %get3A_274, %gather3A_264 : vector<16xf32>
        %swap3A_276 = arith.index_cast %add3A_262 : i32 to index
        %swap3A_277 = arith.constant 16 : index
        %swap3A_278 = tpu.vector_load %arg13[%swap3A_276, %swap3A_277] {strides = array<i32>} : memref<128x128xf32, #tpu.memory_space<vmem>>, vector<16xf32>,
        tpu.vector_store %arg13[%swap3A_276, %swap3A_277], %mul3A_275 {strides = array<i32>} : memref<128x128xf32, #tpu.memory_space<vmem>>, vector<16xf32>,
        %get3A_279 = arith.index_cast %add3A_262 : i32 to index
        %get3A_280 = arith.constant 32 : index
        %get3A_281 = tpu.vector_load %arg13[%get3A_279, %get3A_280] {strides = array<i32>} : memref<128x128xf32, #tpu.memory_space<vmem>>, vector<16xf32>,
        %mul3A_282 = arith.mulf %get3A_281, %gather3A_264 : vector<16xf32>
        %swap3A_283 = arith.index_cast %add3A_262 : i32 to index
        %swap3A_284 = arith.constant 32 : index
        %swap3A_285 = tpu.vector_load %arg13[%swap3A_283, %swap3A_284] {strides = array<i32>} : memref<128x128xf32, #tpu.memory_space<vmem>>, vector<16xf32>,
        tpu.vector_store %arg13[%swap3A_283, %swap3A_284], %mul3A_282 {strides = array<i32>} : memref<128x128xf32, #tpu.memory_space<vmem>>, vector<16xf32>,
        %get3A_286 = arith.index_cast %add3A_262 : i32 to index
        %get3A_287 = arith.constant 48 : index
        %get3A_288 = tpu.vector_load %arg13[%get3A_286, %get3A_287] {strides = array<i32>} : memref<128x128xf32, #tpu.memory_space<vmem>>, vector<16xf32>,
        %mul3A_289 = arith.mulf %get3A_288, %gather3A_264 : vector<16xf32>
        %swap3A_290 = arith.index_cast %add3A_262 : i32 to index
        %swap3A_291 = arith.constant 48 : index
        %swap3A_292 = tpu.vector_load %arg13[%swap3A_290, %swap3A_291] {strides = array<i32>} : memref<128x128xf32, #tpu.memory_space<vmem>>, vector<16xf32>,
        tpu.vector_store %arg13[%swap3A_290, %swap3A_291], %mul3A_289 {strides = array<i32>} : memref<128x128xf32, #tpu.memory_space<vmem>>, vector<16xf32>,
        %get3A_293 = arith.index_cast %add3A_262 : i32 to index
        %get3A_294 = arith.constant 64 : index
        %get3A_295 = tpu.vector_load %arg13[%get3A_293, %get3A_294] {strides = array<i32>} : memref<128x128xf32, #tpu.memory_space<vmem>>, vector<16xf32>,
        %mul3A_296 = arith.mulf %get3A_295, %gather3A_264 : vector<16xf32>
        %swap3A_297 = arith.index_cast %add3A_262 : i32 to index
        %swap3A_298 = arith.constant 64 : index
        %swap3A_299 = tpu.vector_load %arg13[%swap3A_297, %swap3A_298] {strides = array<i32>} : memref<128x128xf32, #tpu.memory_space<vmem>>, vector<16xf32>,
        tpu.vector_store %arg13[%swap3A_297, %swap3A_298], %mul3A_296 {strides = array<i32>} : memref<128x128xf32, #tpu.memory_space<vmem>>, vector<16xf32>,
        %get3A_300 = arith.index_cast %add3A_262 : i32 to index
        %get3A_301 = arith.constant 80 : index
        %get3A_302 = tpu.vector_load %arg13[%get3A_300, %get3A_301] {strides = array<i32>} : memref<128x128xf32, #tpu.memory_space<vmem>>, vector<16xf32>,
        %mul3A_303 = arith.mulf %get3A_302, %gather3A_264 : vector<16xf32>
        %swap3A_304 = arith.index_cast %add3A_262 : i32 to index
        %swap3A_305 = arith.constant 80 : index
        %swap3A_306 = tpu.vector_load %arg13[%swap3A_304, %swap3A_305] {strides = array<i32>} : memref<128x128xf32, #tpu.memory_space<vmem>>, vector<16xf32>,
        tpu.vector_store %arg13[%swap3A_304, %swap3A_305], %mul3A_303 {strides = array<i32>} : memref<128x128xf32, #tpu.memory_space<vmem>>, vector<16xf32>,
        %get3A_307 = arith.index_cast %add3A_262 : i32 to index
        %get3A_308 = arith.constant 96 : index
        %get3A_309 = tpu.vector_load %arg13[%get3A_307, %get3A_308] {strides = array<i32>} : memref<128x128xf32, #tpu.memory_space<vmem>>, vector<16xf32>,
        %mul3A_310 = arith.mulf %get3A_309, %gather3A_264 : vector<16xf32>
        %swap3A_311 = arith.index_cast %add3A_262 : i32 to index
        %swap3A_312 = arith.constant 96 : index
        %swap3A_313 = tpu.vector_load %arg13[%swap3A_311, %swap3A_312] {strides = array<i32>} : memref<128x128xf32, #tpu.memory_space<vmem>>, vector<16xf32>,
        tpu.vector_store %arg13[%swap3A_311, %swap3A_312], %mul3A_310 {strides = array<i32>} : memref<128x128xf32, #tpu.memory_space<vmem>>, vector<16xf32>,
        %get3A_314 = arith.index_cast %add3A_262 : i32 to index
        %get3A_315 = arith.constant 112 : index
        %get3A_316 = tpu.vector_load %arg13[%get3A_314, %get3A_315] {strides = array<i32>} : memref<128x128xf32, #tpu.memory_space<vmem>>, vector<16xf32>,
        %mul3A_317 = arith.mulf %get3A_316, %gather3A_264 : vector<16xf32>
        %swap3A_318 = arith.index_cast %add3A_262 : i32 to index
        %swap3A_319 = arith.constant 112 : index
        %swap3A_320 = tpu.vector_load %arg13[%swap3A_318, %swap3A_319] {strides = array<i32>} : memref<128x128xf32, #tpu.memory_space<vmem>>, vector<16xf32>,
        tpu.vector_store %arg13[%swap3A_318, %swap3A_319], %mul3A_317 {strides = array<i32>} : memref<128x128xf32, #tpu.memory_space<vmem>>, vector<16xf32>,
        %mul3A_321 = arith.constant 4 : i32
        %mul3A_322 = arith.muli %scan3A_136, %mul3A_321 : i32
        %add3A_323 = arith.constant 3 : i32
        %add3A_324 = arith.addi %mul3A_322, %add3A_323 : i32
        %broadcast_in_dim3A_325 = vector.broadcast %add3A_324 : i32 to vector<16xi32>
        %gather3A_326 = tpu.vector_load_idx %arg11[%broadcast_in_dim3A_325] : memref<128xf32, #tpu.memory_space<vmem>>[vector<16xi32>], vector<16xf32>,
        %get3A_327 = arith.index_cast %add3A_324 : i32 to index
        %get3A_328 = arith.constant 0 : index
        %get3A_329 = tpu.vector_load %arg13[%get3A_327, %get3A_328] {strides = array<i32>} : memref<128x128xf32, #tpu.memory_space<vmem>>, vector<16xf32>,
        %mul3A_330 = arith.mulf %get3A_329, %gather3A_326 : vector<16xf32>
        %swap3A_331 = arith.index_cast %add3A_324 : i32 to index
        %swap3A_332 = arith.constant 0 : index
        %swap3A_333 = tpu.vector_load %arg13[%swap3A_331, %swap3A_332] {strides = array<i32>} : memref<128x128xf32, #tpu.memory_space<vmem>>, vector<16xf32>,
        tpu.vector_store %arg13[%swap3A_331, %swap3A_332], %mul3A_330 {strides = array<i32>} : memref<128x128xf32, #tpu.memory_space<vmem>>, vector<16xf32>,
        %get3A_334 = arith.index_cast %add3A_324 : i32 to index
        %get3A_335 = arith.constant 16 : index
        %get3A_336 = tpu.vector_load %arg13[%get3A_334, %get3A_335] {strides = array<i32>} : memref<128x128xf32, #tpu.memory_space<vmem>>, vector<16xf32>,
        %mul3A_337 = arith.mulf %get3A_336, %gather3A_326 : vector<16xf32>
        %swap3A_338 = arith.index_cast %add3A_324 : i32 to index
        %swap3A_339 = arith.constant 16 : index
        %swap3A_340 = tpu.vector_load %arg13[%swap3A_338, %swap3A_339] {strides = array<i32>} : memref<128x128xf32, #tpu.memory_space<vmem>>, vector<16xf32>,
        tpu.vector_store %arg13[%swap3A_338, %swap3A_339], %mul3A_337 {strides = array<i32>} : memref<128x128xf32, #tpu.memory_space<vmem>>, vector<16xf32>,
        %get3A_341 = arith.index_cast %add3A_324 : i32 to index
        %get3A_342 = arith.constant 32 : index
        %get3A_343 = tpu.vector_load %arg13[%get3A_341, %get3A_342] {strides = array<i32>} : memref<128x128xf32, #tpu.memory_space<vmem>>, vector<16xf32>,
        %mul3A_344 = arith.mulf %get3A_343, %gather3A_326 : vector<16xf32>
        %swap3A_345 = arith.index_cast %add3A_324 : i32 to index
        %swap3A_346 = arith.constant 32 : index
        %swap3A_347 = tpu.vector_load %arg13[%swap3A_345, %swap3A_346] {strides = array<i32>} : memref<128x128xf32, #tpu.memory_space<vmem>>, vector<16xf32>,
        tpu.vector_store %arg13[%swap3A_345, %swap3A_346], %mul3A_344 {strides = array<i32>} : memref<128x128xf32, #tpu.memory_space<vmem>>, vector<16xf32>,
        %get3A_348 = arith.index_cast %add3A_324 : i32 to index
        %get3A_349 = arith.constant 48 : index
        %get3A_350 = tpu.vector_load %arg13[%get3A_348, %get3A_349] {strides = array<i32>} : memref<128x128xf32, #tpu.memory_space<vmem>>, vector<16xf32>,
        %mul3A_351 = arith.mulf %get3A_350, %gather3A_326 : vector<16xf32>
        %swap3A_352 = arith.index_cast %add3A_324 : i32 to index
        %swap3A_353 = arith.constant 48 : index
        %swap3A_354 = tpu.vector_load %arg13[%swap3A_352, %swap3A_353] {strides = array<i32>} : memref<128x128xf32, #tpu.memory_space<vmem>>, vector<16xf32>,
        tpu.vector_store %arg13[%swap3A_352, %swap3A_353], %mul3A_351 {strides = array<i32>} : memref<128x128xf32, #tpu.memory_space<vmem>>, vector<16xf32>,
        %get3A_355 = arith.index_cast %add3A_324 : i32 to index
        %get3A_356 = arith.constant 64 : index
        %get3A_357 = tpu.vector_load %arg13[%get3A_355, %get3A_356] {strides = array<i32>} : memref<128x128xf32, #tpu.memory_space<vmem>>, vector<16xf32>,
        %mul3A_358 = arith.mulf %get3A_357, %gather3A_326 : vector<16xf32>
        %swap3A_359 = arith.index_cast %add3A_324 : i32 to index
        %swap3A_360 = arith.constant 64 : index
        %swap3A_361 = tpu.vector_load %arg13[%swap3A_359, %swap3A_360] {strides = array<i32>} : memref<128x128xf32, #tpu.memory_space<vmem>>, vector<16xf32>,
        tpu.vector_store %arg13[%swap3A_359, %swap3A_360], %mul3A_358 {strides = array<i32>} : memref<128x128xf32, #tpu.memory_space<vmem>>, vector<16xf32>,
        %get3A_362 = arith.index_cast %add3A_324 : i32 to index
        %get3A_363 = arith.constant 80 : index
        %get3A_364 = tpu.vector_load %arg13[%get3A_362, %get3A_363] {strides = array<i32>} : memref<128x128xf32, #tpu.memory_space<vmem>>, vector<16xf32>,
        %mul3A_365 = arith.mulf %get3A_364, %gather3A_326 : vector<16xf32>
        %swap3A_366 = arith.index_cast %add3A_324 : i32 to index
        %swap3A_367 = arith.constant 80 : index
        %swap3A_368 = tpu.vector_load %arg13[%swap3A_366, %swap3A_367] {strides = array<i32>} : memref<128x128xf32, #tpu.memory_space<vmem>>, vector<16xf32>,
        tpu.vector_store %arg13[%swap3A_366, %swap3A_367], %mul3A_365 {strides = array<i32>} : memref<128x128xf32, #tpu.memory_space<vmem>>, vector<16xf32>,
        %get3A_369 = arith.index_cast %add3A_324 : i32 to index
        %get3A_370 = arith.constant 96 : index
        %get3A_371 = tpu.vector_load %arg13[%get3A_369, %get3A_370] {strides = array<i32>} : memref<128x128xf32, #tpu.memory_space<vmem>>, vector<16xf32>,
        %mul3A_372 = arith.mulf %get3A_371, %gather3A_326 : vector<16xf32>
        %swap3A_373 = arith.index_cast %add3A_324 : i32 to index
        %swap3A_374 = arith.constant 96 : index
        %swap3A_375 = tpu.vector_load %arg13[%swap3A_373, %swap3A_374] {strides = array<i32>} : memref<128x128xf32, #tpu.memory_space<vmem>>, vector<16xf32>,
        tpu.vector_store %arg13[%swap3A_373, %swap3A_374], %mul3A_372 {strides = array<i32>} : memref<128x128xf32, #tpu.memory_space<vmem>>, vector<16xf32>,
        %get3A_376 = arith.index_cast %add3A_324 : i32 to index
        %get3A_377 = arith.constant 112 : index
        %get3A_378 = tpu.vector_load %arg13[%get3A_376, %get3A_377] {strides = array<i32>} : memref<128x128xf32, #tpu.memory_space<vmem>>, vector<16xf32>,
        %mul3A_379 = arith.mulf %get3A_378, %gather3A_326 : vector<16xf32>
        %swap3A_380 = arith.index_cast %add3A_324 : i32 to index
        %swap3A_381 = arith.constant 112 : index
        %swap3A_382 = tpu.vector_load %arg13[%swap3A_380, %swap3A_381] {strides = array<i32>} : memref<128x128xf32, #tpu.memory_space<vmem>>, vector<16xf32>,
        tpu.vector_store %arg13[%swap3A_380, %swap3A_381], %mul3A_379 {strides = array<i32>} : memref<128x128xf32, #tpu.memory_space<vmem>>, vector<16xf32>,
      }
      %scan3A_118 = arith.constant 32 : i32
      %dma_start3A_119 = arith.constant 0 : i32
      %dma_start3A_120 = arith.constant 0 : i32
      %dma_start3A_121 = tpu.memref_slice %arg15[%dma_start3A_119, %dma_start3A_120] : memref<10240x128xf32, #tpu.memory_space<vmem_shared>> -> memref<10240x128xf32, #tpu.memory_space<vmem_shared>>
      tpu.enqueue_indirect_dma source(%arg13 : memref<128x128xf32, #tpu.memory_space<vmem>>) target(%dma_start3A_121 : memref<10240x128xf32, #tpu.memory_space<vmem_shared>>) offsets(%arg9 : memref<128xi32, #tpu.memory_space<vmem>>) semaphore(%arg18 : memref<!tpu.dma_semaphore, #tpu.memory_space<semaphore_mem>>) {add = true}
      %add3A_122 = arith.constant 2 : i32
      %add3A_123 = arith.addi %mul3A_102, %add3A_122 : i32
      %lt3A_124 = arith.constant 79 : i32
      %lt3A_125 = arith.cmpi slt, %add3A_123, %lt3A_124 : i32
      %convert_element_type3A_126 = arith.extui %lt3A_125 : i1 to i32
      %cond3A_127 = arith.constant 0 : i32
      %cond3A_128 = arith.cmpi ne, %convert_element_type3A_126, %cond3A_127 : i32
      scf.if %cond3A_128 {
        %add3A_136 = arith.constant 2 : i32
        %add3A_137 = arith.addi %mul3A_102, %add3A_136 : i32
        %dma_wait3A_138 = arith.constant 0 : i32
        %dma_wait3A_139 = arith.constant 0 : i32
        %dma_wait3A_140 = tpu.memref_slice %arg2[%dma_wait3A_138, %dma_wait3A_139] : memref<10000x128xf32, #tpu.memory_space<hbm>> -> memref<128x128xf32, #tpu.memory_space<hbm>>
        %dma_wait3A_141 = arith.constant 0 : i32
        %dma_wait3A_142 = arith.constant 0 : i32
        %dma_wait3A_143 = tpu.memref_slice %arg2[%dma_wait3A_141, %dma_wait3A_142] : memref<10000x128xf32, #tpu.memory_space<hbm>> -> memref<128x128xf32, #tpu.memory_space<hbm>>
        tpu.wait_dma2 semaphore(%arg18 : memref<!tpu.dma_semaphore, #tpu.memory_space<semaphore_mem>>) src(%dma_wait3A_143 : memref<128x128xf32, #tpu.memory_space<hbm>>) dst(%arg13 : memref<128x128xf32, #tpu.memory_space<vmem>>)
        %mul3A_144 = arith.constant 128 : i32
        %mul3A_145 = arith.muli %add3A_137, %mul3A_144 : i32
        %add3A_146 = arith.addi %mul3A_2, %mul3A_145 : i32
        "tpu.region"() ({
          %run_scoped3A = tpu.sem_alloc : memref<!tpu.dma_semaphore, #tpu.memory_space<semaphore_mem>>
          %dma_start3A_150 = tpu.memref_slice %arg3[%add3A_146] : memref<323584xi32, #tpu.memory_space<hbm>> -> memref<128xi32, #tpu.memory_space<hbm>>
          %dma_start3A_151 = tpu.memref_slice %arg3[%add3A_146] : memref<323584xi32, #tpu.memory_space<hbm>> -> memref<128xi32, #tpu.memory_space<hbm>>
          tpu.enqueue_dma source(%dma_start3A_151 : memref<128xi32, #tpu.memory_space<hbm>>) target(%arg7 : memref<128xi32, #tpu.memory_space<vmem>>) target_semaphore(%run_scoped3A : memref<!tpu.dma_semaphore, #tpu.memory_space<semaphore_mem>>)
          %dma_wait3A_152 = tpu.memref_slice %arg3[%add3A_146] : memref<323584xi32, #tpu.memory_space<hbm>> -> memref<128xi32, #tpu.memory_space<hbm>>
          %dma_wait3A_153 = tpu.memref_slice %arg3[%add3A_146] : memref<323584xi32, #tpu.memory_space<hbm>> -> memref<128xi32, #tpu.memory_space<hbm>>
          tpu.wait_dma2 semaphore(%run_scoped3A : memref<!tpu.dma_semaphore, #tpu.memory_space<semaphore_mem>>) src(%dma_wait3A_153 : memref<128xi32, #tpu.memory_space<hbm>>) dst(%arg7 : memref<128xi32, #tpu.memory_space<vmem>>)
          tpu.yield
        }) : () -> ()
        "tpu.region"() ({
          %run_scoped3A = tpu.sem_alloc : memref<!tpu.dma_semaphore, #tpu.memory_space<semaphore_mem>>
          %dma_start3A_150 = tpu.memref_slice %arg4[%add3A_146] : memref<323584xi32, #tpu.memory_space<hbm>> -> memref<128xi32, #tpu.memory_space<hbm>>
          %dma_start3A_151 = tpu.memref_slice %arg4[%add3A_146] : memref<323584xi32, #tpu.memory_space<hbm>> -> memref<128xi32, #tpu.memory_space<hbm>>
          tpu.enqueue_dma source(%dma_start3A_151 : memref<128xi32, #tpu.memory_space<hbm>>) target(%arg9 : memref<128xi32, #tpu.memory_space<vmem>>) target_semaphore(%run_scoped3A : memref<!tpu.dma_semaphore, #tpu.memory_space<semaphore_mem>>)
          %dma_wait3A_152 = tpu.memref_slice %arg4[%add3A_146] : memref<323584xi32, #tpu.memory_space<hbm>> -> memref<128xi32, #tpu.memory_space<hbm>>
          %dma_wait3A_153 = tpu.memref_slice %arg4[%add3A_146] : memref<323584xi32, #tpu.memory_space<hbm>> -> memref<128xi32, #tpu.memory_space<hbm>>
          tpu.wait_dma2 semaphore(%run_scoped3A : memref<!tpu.dma_semaphore, #tpu.memory_space<semaphore_mem>>) src(%dma_wait3A_153 : memref<128xi32, #tpu.memory_space<hbm>>) dst(%arg9 : memref<128xi32, #tpu.memory_space<vmem>>)
          tpu.yield
        }) : () -> ()
        "tpu.region"() ({
          %run_scoped3A = tpu.sem_alloc : memref<!tpu.dma_semaphore, #tpu.memory_space<semaphore_mem>>
          %dma_start3A_150 = tpu.memref_slice %arg5[%add3A_146] : memref<323584xf32, #tpu.memory_space<hbm>> -> memref<128xf32, #tpu.memory_space<hbm>>
          %dma_start3A_151 = tpu.memref_slice %arg5[%add3A_146] : memref<323584xf32, #tpu.memory_space<hbm>> -> memref<128xf32, #tpu.memory_space<hbm>>
          tpu.enqueue_dma source(%dma_start3A_151 : memref<128xf32, #tpu.memory_space<hbm>>) target(%arg11 : memref<128xf32, #tpu.memory_space<vmem>>) target_semaphore(%run_scoped3A : memref<!tpu.dma_semaphore, #tpu.memory_space<semaphore_mem>>)
          %dma_wait3A_152 = tpu.memref_slice %arg5[%add3A_146] : memref<323584xf32, #tpu.memory_space<hbm>> -> memref<128xf32, #tpu.memory_space<hbm>>
          %dma_wait3A_153 = tpu.memref_slice %arg5[%add3A_146] : memref<323584xf32, #tpu.memory_space<hbm>> -> memref<128xf32, #tpu.memory_space<hbm>>
          tpu.wait_dma2 semaphore(%run_scoped3A : memref<!tpu.dma_semaphore, #tpu.memory_space<semaphore_mem>>) src(%dma_wait3A_153 : memref<128xf32, #tpu.memory_space<hbm>>) dst(%arg11 : memref<128xf32, #tpu.memory_space<vmem>>)
          tpu.yield
        }) : () -> ()
        %dma_start3A_147 = arith.constant 0 : i32
        %dma_start3A_148 = arith.constant 0 : i32
        %dma_start3A_149 = tpu.memref_slice %arg2[%dma_start3A_147, %dma_start3A_148] : memref<10000x128xf32, #tpu.memory_space<hbm>> -> memref<10000x128xf32, #tpu.memory_space<hbm>>
        tpu.enqueue_indirect_dma source(%dma_start3A_149 : memref<10000x128xf32, #tpu.memory_space<hbm>>) target(%arg13 : memref<128x128xf32, #tpu.memory_space<vmem>>) offsets(%arg7 : memref<128xi32, #tpu.memory_space<vmem>>) semaphore(%arg16 : memref<!tpu.dma_semaphore, #tpu.memory_space<semaphore_mem>>)
      } else {
      }
      %add3A_129 = arith.constant 1 : i32
      %add3A_130 = arith.addi %mul3A_102, %add3A_129 : i32
      %lt3A_131 = arith.constant 79 : i32
      %lt3A_132 = arith.cmpi slt, %add3A_130, %lt3A_131 : i32
      %convert_element_type3A_133 = arith.extui %lt3A_132 : i1 to i32
      %cond3A_134 = arith.constant 0 : i32
      %cond3A_135 = arith.cmpi ne, %convert_element_type3A_133, %cond3A_134 : i32
      scf.if %cond3A_135 {
        %dma_wait3A_136 = arith.constant 0 : i32
        %dma_wait3A_137 = arith.constant 0 : i32
        %dma_wait3A_138 = tpu.memref_slice %arg2[%dma_wait3A_136, %dma_wait3A_137] : memref<10000x128xf32, #tpu.memory_space<hbm>> -> memref<128x128xf32, #tpu.memory_space<hbm>>
        %dma_wait3A_139 = arith.constant 0 : i32
        %dma_wait3A_140 = arith.constant 0 : i32
        %dma_wait3A_141 = tpu.memref_slice %arg2[%dma_wait3A_139, %dma_wait3A_140] : memref<10000x128xf32, #tpu.memory_space<hbm>> -> memref<128x128xf32, #tpu.memory_space<hbm>>
        tpu.wait_dma2 semaphore(%arg17 : memref<!tpu.dma_semaphore, #tpu.memory_space<semaphore_mem>>) src(%dma_wait3A_141 : memref<128x128xf32, #tpu.memory_space<hbm>>) dst(%arg14 : memref<128x128xf32, #tpu.memory_space<vmem>>)
        %scan3A_142 = arith.constant 0 : i32
        %scan3A_143 = arith.constant 0 : i32
        %scan3A_144 = arith.constant 32 : i32
        %scan3A_145 = arith.addi %scan3A_143, %scan3A_144 : i32
        %scan3A_146 = arith.constant 1 : i32
        scf.for %scan3A_151 = %scan3A_143 to %scan3A_145 step %scan3A_146  : i32 {
          %mul3A_152 = arith.constant 4 : i32
          %mul3A_153 = arith.muli %scan3A_151, %mul3A_152 : i32
          %add3A_154 = arith.constant 0 : i32
          %add3A_155 = arith.addi %mul3A_153, %add3A_154 : i32
          %broadcast_in_dim3A_156 = vector.broadcast %add3A_155 : i32 to vector<16xi32>
          %gather3A = tpu.vector_load_idx %arg12[%broadcast_in_dim3A_156] : memref<128xf32, #tpu.memory_space<vmem>>[vector<16xi32>], vector<16xf32>,
          %get3A = arith.index_cast %add3A_155 : i32 to index
          %get3A_157 = arith.constant 0 : index
          %get3A_158 = tpu.vector_load %arg14[%get3A, %get3A_157] {strides = array<i32>} : memref<128x128xf32, #tpu.memory_space<vmem>>, vector<16xf32>,
          %mul3A_159 = arith.mulf %get3A_158, %gather3A : vector<16xf32>
          %swap3A_160 = arith.index_cast %add3A_155 : i32 to index
          %swap3A_161 = arith.constant 0 : index
          %swap3A_162 = tpu.vector_load %arg14[%swap3A_160, %swap3A_161] {strides = array<i32>} : memref<128x128xf32, #tpu.memory_space<vmem>>, vector<16xf32>,
          tpu.vector_store %arg14[%swap3A_160, %swap3A_161], %mul3A_159 {strides = array<i32>} : memref<128x128xf32, #tpu.memory_space<vmem>>, vector<16xf32>,
          %get3A_163 = arith.index_cast %add3A_155 : i32 to index
          %get3A_164 = arith.constant 16 : index
          %get3A_165 = tpu.vector_load %arg14[%get3A_163, %get3A_164] {strides = array<i32>} : memref<128x128xf32, #tpu.memory_space<vmem>>, vector<16xf32>,
          %mul3A_166 = arith.mulf %get3A_165, %gather3A : vector<16xf32>
          %swap3A_167 = arith.index_cast %add3A_155 : i32 to index
          %swap3A_168 = arith.constant 16 : index
          %swap3A_169 = tpu.vector_load %arg14[%swap3A_167, %swap3A_168] {strides = array<i32>} : memref<128x128xf32, #tpu.memory_space<vmem>>, vector<16xf32>,
          tpu.vector_store %arg14[%swap3A_167, %swap3A_168], %mul3A_166 {strides = array<i32>} : memref<128x128xf32, #tpu.memory_space<vmem>>, vector<16xf32>,
          %get3A_170 = arith.index_cast %add3A_155 : i32 to index
          %get3A_171 = arith.constant 32 : index
          %get3A_172 = tpu.vector_load %arg14[%get3A_170, %get3A_171] {strides = array<i32>} : memref<128x128xf32, #tpu.memory_space<vmem>>, vector<16xf32>,
          %mul3A_173 = arith.mulf %get3A_172, %gather3A : vector<16xf32>
          %swap3A_174 = arith.index_cast %add3A_155 : i32 to index
          %swap3A_175 = arith.constant 32 : index
          %swap3A_176 = tpu.vector_load %arg14[%swap3A_174, %swap3A_175] {strides = array<i32>} : memref<128x128xf32, #tpu.memory_space<vmem>>, vector<16xf32>,
          tpu.vector_store %arg14[%swap3A_174, %swap3A_175], %mul3A_173 {strides = array<i32>} : memref<128x128xf32, #tpu.memory_space<vmem>>, vector<16xf32>,
          %get3A_177 = arith.index_cast %add3A_155 : i32 to index
          %get3A_178 = arith.constant 48 : index
          %get3A_179 = tpu.vector_load %arg14[%get3A_177, %get3A_178] {strides = array<i32>} : memref<128x128xf32, #tpu.memory_space<vmem>>, vector<16xf32>,
          %mul3A_180 = arith.mulf %get3A_179, %gather3A : vector<16xf32>
          %swap3A_181 = arith.index_cast %add3A_155 : i32 to index
          %swap3A_182 = arith.constant 48 : index
          %swap3A_183 = tpu.vector_load %arg14[%swap3A_181, %swap3A_182] {strides = array<i32>} : memref<128x128xf32, #tpu.memory_space<vmem>>, vector<16xf32>,
          tpu.vector_store %arg14[%swap3A_181, %swap3A_182], %mul3A_180 {strides = array<i32>} : memref<128x128xf32, #tpu.memory_space<vmem>>, vector<16xf32>,
          %get3A_184 = arith.index_cast %add3A_155 : i32 to index
          %get3A_185 = arith.constant 64 : index
          %get3A_186 = tpu.vector_load %arg14[%get3A_184, %get3A_185] {strides = array<i32>} : memref<128x128xf32, #tpu.memory_space<vmem>>, vector<16xf32>,
          %mul3A_187 = arith.mulf %get3A_186, %gather3A : vector<16xf32>
          %swap3A_188 = arith.index_cast %add3A_155 : i32 to index
          %swap3A_189 = arith.constant 64 : index
          %swap3A_190 = tpu.vector_load %arg14[%swap3A_188, %swap3A_189] {strides = array<i32>} : memref<128x128xf32, #tpu.memory_space<vmem>>, vector<16xf32>,
          tpu.vector_store %arg14[%swap3A_188, %swap3A_189], %mul3A_187 {strides = array<i32>} : memref<128x128xf32, #tpu.memory_space<vmem>>, vector<16xf32>,
          %get3A_191 = arith.index_cast %add3A_155 : i32 to index
          %get3A_192 = arith.constant 80 : index
          %get3A_193 = tpu.vector_load %arg14[%get3A_191, %get3A_192] {strides = array<i32>} : memref<128x128xf32, #tpu.memory_space<vmem>>, vector<16xf32>,
          %mul3A_194 = arith.mulf %get3A_193, %gather3A : vector<16xf32>
          %swap3A_195 = arith.index_cast %add3A_155 : i32 to index
          %swap3A_196 = arith.constant 80 : index
          %swap3A_197 = tpu.vector_load %arg14[%swap3A_195, %swap3A_196] {strides = array<i32>} : memref<128x128xf32, #tpu.memory_space<vmem>>, vector<16xf32>,
          tpu.vector_store %arg14[%swap3A_195, %swap3A_196], %mul3A_194 {strides = array<i32>} : memref<128x128xf32, #tpu.memory_space<vmem>>, vector<16xf32>,
          %get3A_198 = arith.index_cast %add3A_155 : i32 to index
          %get3A_199 = arith.constant 96 : index
          %get3A_200 = tpu.vector_load %arg14[%get3A_198, %get3A_199] {strides = array<i32>} : memref<128x128xf32, #tpu.memory_space<vmem>>, vector<16xf32>,
          %mul3A_201 = arith.mulf %get3A_200, %gather3A : vector<16xf32>
          %swap3A_202 = arith.index_cast %add3A_155 : i32 to index
          %swap3A_203 = arith.constant 96 : index
          %swap3A_204 = tpu.vector_load %arg14[%swap3A_202, %swap3A_203] {strides = array<i32>} : memref<128x128xf32, #tpu.memory_space<vmem>>, vector<16xf32>,
          tpu.vector_store %arg14[%swap3A_202, %swap3A_203], %mul3A_201 {strides = array<i32>} : memref<128x128xf32, #tpu.memory_space<vmem>>, vector<16xf32>,
          %get3A_205 = arith.index_cast %add3A_155 : i32 to index
          %get3A_206 = arith.constant 112 : index
          %get3A_207 = tpu.vector_load %arg14[%get3A_205, %get3A_206] {strides = array<i32>} : memref<128x128xf32, #tpu.memory_space<vmem>>, vector<16xf32>,
          %mul3A_208 = arith.mulf %get3A_207, %gather3A : vector<16xf32>
          %swap3A_209 = arith.index_cast %add3A_155 : i32 to index
          %swap3A_210 = arith.constant 112 : index
          %swap3A_211 = tpu.vector_load %arg14[%swap3A_209, %swap3A_210] {strides = array<i32>} : memref<128x128xf32, #tpu.memory_space<vmem>>, vector<16xf32>,
          tpu.vector_store %arg14[%swap3A_209, %swap3A_210], %mul3A_208 {strides = array<i32>} : memref<128x128xf32, #tpu.memory_space<vmem>>, vector<16xf32>,
          %mul3A_212 = arith.constant 4 : i32
          %mul3A_213 = arith.muli %scan3A_151, %mul3A_212 : i32
          %add3A_214 = arith.constant 1 : i32
          %add3A_215 = arith.addi %mul3A_213, %add3A_214 : i32
          %broadcast_in_dim3A_216 = vector.broadcast %add3A_215 : i32 to vector<16xi32>
          %gather3A_217 = tpu.vector_load_idx %arg12[%broadcast_in_dim3A_216] : memref<128xf32, #tpu.memory_space<vmem>>[vector<16xi32>], vector<16xf32>,
          %get3A_218 = arith.index_cast %add3A_215 : i32 to index
          %get3A_219 = arith.constant 0 : index
          %get3A_220 = tpu.vector_load %arg14[%get3A_218, %get3A_219] {strides = array<i32>} : memref<128x128xf32, #tpu.memory_space<vmem>>, vector<16xf32>,
          %mul3A_221 = arith.mulf %get3A_220, %gather3A_217 : vector<16xf32>
          %swap3A_222 = arith.index_cast %add3A_215 : i32 to index
          %swap3A_223 = arith.constant 0 : index
          %swap3A_224 = tpu.vector_load %arg14[%swap3A_222, %swap3A_223] {strides = array<i32>} : memref<128x128xf32, #tpu.memory_space<vmem>>, vector<16xf32>,
          tpu.vector_store %arg14[%swap3A_222, %swap3A_223], %mul3A_221 {strides = array<i32>} : memref<128x128xf32, #tpu.memory_space<vmem>>, vector<16xf32>,
          %get3A_225 = arith.index_cast %add3A_215 : i32 to index
          %get3A_226 = arith.constant 16 : index
          %get3A_227 = tpu.vector_load %arg14[%get3A_225, %get3A_226] {strides = array<i32>} : memref<128x128xf32, #tpu.memory_space<vmem>>, vector<16xf32>,
          %mul3A_228 = arith.mulf %get3A_227, %gather3A_217 : vector<16xf32>
          %swap3A_229 = arith.index_cast %add3A_215 : i32 to index
          %swap3A_230 = arith.constant 16 : index
          %swap3A_231 = tpu.vector_load %arg14[%swap3A_229, %swap3A_230] {strides = array<i32>} : memref<128x128xf32, #tpu.memory_space<vmem>>, vector<16xf32>,
          tpu.vector_store %arg14[%swap3A_229, %swap3A_230], %mul3A_228 {strides = array<i32>} : memref<128x128xf32, #tpu.memory_space<vmem>>, vector<16xf32>,
          %get3A_232 = arith.index_cast %add3A_215 : i32 to index
          %get3A_233 = arith.constant 32 : index
          %get3A_234 = tpu.vector_load %arg14[%get3A_232, %get3A_233] {strides = array<i32>} : memref<128x128xf32, #tpu.memory_space<vmem>>, vector<16xf32>,
          %mul3A_235 = arith.mulf %get3A_234, %gather3A_217 : vector<16xf32>
          %swap3A_236 = arith.index_cast %add3A_215 : i32 to index
          %swap3A_237 = arith.constant 32 : index
          %swap3A_238 = tpu.vector_load %arg14[%swap3A_236, %swap3A_237] {strides = array<i32>} : memref<128x128xf32, #tpu.memory_space<vmem>>, vector<16xf32>,
          tpu.vector_store %arg14[%swap3A_236, %swap3A_237], %mul3A_235 {strides = array<i32>} : memref<128x128xf32, #tpu.memory_space<vmem>>, vector<16xf32>,
          %get3A_239 = arith.index_cast %add3A_215 : i32 to index
          %get3A_240 = arith.constant 48 : index
          %get3A_241 = tpu.vector_load %arg14[%get3A_239, %get3A_240] {strides = array<i32>} : memref<128x128xf32, #tpu.memory_space<vmem>>, vector<16xf32>,
          %mul3A_242 = arith.mulf %get3A_241, %gather3A_217 : vector<16xf32>
          %swap3A_243 = arith.index_cast %add3A_215 : i32 to index
          %swap3A_244 = arith.constant 48 : index
          %swap3A_245 = tpu.vector_load %arg14[%swap3A_243, %swap3A_244] {strides = array<i32>} : memref<128x128xf32, #tpu.memory_space<vmem>>, vector<16xf32>,
          tpu.vector_store %arg14[%swap3A_243, %swap3A_244], %mul3A_242 {strides = array<i32>} : memref<128x128xf32, #tpu.memory_space<vmem>>, vector<16xf32>,
          %get3A_246 = arith.index_cast %add3A_215 : i32 to index
          %get3A_247 = arith.constant 64 : index
          %get3A_248 = tpu.vector_load %arg14[%get3A_246, %get3A_247] {strides = array<i32>} : memref<128x128xf32, #tpu.memory_space<vmem>>, vector<16xf32>,
          %mul3A_249 = arith.mulf %get3A_248, %gather3A_217 : vector<16xf32>
          %swap3A_250 = arith.index_cast %add3A_215 : i32 to index
          %swap3A_251 = arith.constant 64 : index
          %swap3A_252 = tpu.vector_load %arg14[%swap3A_250, %swap3A_251] {strides = array<i32>} : memref<128x128xf32, #tpu.memory_space<vmem>>, vector<16xf32>,
          tpu.vector_store %arg14[%swap3A_250, %swap3A_251], %mul3A_249 {strides = array<i32>} : memref<128x128xf32, #tpu.memory_space<vmem>>, vector<16xf32>,
          %get3A_253 = arith.index_cast %add3A_215 : i32 to index
          %get3A_254 = arith.constant 80 : index
          %get3A_255 = tpu.vector_load %arg14[%get3A_253, %get3A_254] {strides = array<i32>} : memref<128x128xf32, #tpu.memory_space<vmem>>, vector<16xf32>,
          %mul3A_256 = arith.mulf %get3A_255, %gather3A_217 : vector<16xf32>
          %swap3A_257 = arith.index_cast %add3A_215 : i32 to index
          %swap3A_258 = arith.constant 80 : index
          %swap3A_259 = tpu.vector_load %arg14[%swap3A_257, %swap3A_258] {strides = array<i32>} : memref<128x128xf32, #tpu.memory_space<vmem>>, vector<16xf32>,
          tpu.vector_store %arg14[%swap3A_257, %swap3A_258], %mul3A_256 {strides = array<i32>} : memref<128x128xf32, #tpu.memory_space<vmem>>, vector<16xf32>,
          %get3A_260 = arith.index_cast %add3A_215 : i32 to index
          %get3A_261 = arith.constant 96 : index
          %get3A_262 = tpu.vector_load %arg14[%get3A_260, %get3A_261] {strides = array<i32>} : memref<128x128xf32, #tpu.memory_space<vmem>>, vector<16xf32>,
          %mul3A_263 = arith.mulf %get3A_262, %gather3A_217 : vector<16xf32>
          %swap3A_264 = arith.index_cast %add3A_215 : i32 to index
          %swap3A_265 = arith.constant 96 : index
          %swap3A_266 = tpu.vector_load %arg14[%swap3A_264, %swap3A_265] {strides = array<i32>} : memref<128x128xf32, #tpu.memory_space<vmem>>, vector<16xf32>,
          tpu.vector_store %arg14[%swap3A_264, %swap3A_265], %mul3A_263 {strides = array<i32>} : memref<128x128xf32, #tpu.memory_space<vmem>>, vector<16xf32>,
          %get3A_267 = arith.index_cast %add3A_215 : i32 to index
          %get3A_268 = arith.constant 112 : index
          %get3A_269 = tpu.vector_load %arg14[%get3A_267, %get3A_268] {strides = array<i32>} : memref<128x128xf32, #tpu.memory_space<vmem>>, vector<16xf32>,
          %mul3A_270 = arith.mulf %get3A_269, %gather3A_217 : vector<16xf32>
          %swap3A_271 = arith.index_cast %add3A_215 : i32 to index
          %swap3A_272 = arith.constant 112 : index
          %swap3A_273 = tpu.vector_load %arg14[%swap3A_271, %swap3A_272] {strides = array<i32>} : memref<128x128xf32, #tpu.memory_space<vmem>>, vector<16xf32>,
          tpu.vector_store %arg14[%swap3A_271, %swap3A_272], %mul3A_270 {strides = array<i32>} : memref<128x128xf32, #tpu.memory_space<vmem>>, vector<16xf32>,
          %mul3A_274 = arith.constant 4 : i32
          %mul3A_275 = arith.muli %scan3A_151, %mul3A_274 : i32
          %add3A_276 = arith.constant 2 : i32
          %add3A_277 = arith.addi %mul3A_275, %add3A_276 : i32
          %broadcast_in_dim3A_278 = vector.broadcast %add3A_277 : i32 to vector<16xi32>
          %gather3A_279 = tpu.vector_load_idx %arg12[%broadcast_in_dim3A_278] : memref<128xf32, #tpu.memory_space<vmem>>[vector<16xi32>], vector<16xf32>,
          %get3A_280 = arith.index_cast %add3A_277 : i32 to index
          %get3A_281 = arith.constant 0 : index
          %get3A_282 = tpu.vector_load %arg14[%get3A_280, %get3A_281] {strides = array<i32>} : memref<128x128xf32, #tpu.memory_space<vmem>>, vector<16xf32>,
          %mul3A_283 = arith.mulf %get3A_282, %gather3A_279 : vector<16xf32>
          %swap3A_284 = arith.index_cast %add3A_277 : i32 to index
          %swap3A_285 = arith.constant 0 : index
          %swap3A_286 = tpu.vector_load %arg14[%swap3A_284, %swap3A_285] {strides = array<i32>} : memref<128x128xf32, #tpu.memory_space<vmem>>, vector<16xf32>,
          tpu.vector_store %arg14[%swap3A_284, %swap3A_285], %mul3A_283 {strides = array<i32>} : memref<128x128xf32, #tpu.memory_space<vmem>>, vector<16xf32>,
          %get3A_287 = arith.index_cast %add3A_277 : i32 to index
          %get3A_288 = arith.constant 16 : index
          %get3A_289 = tpu.vector_load %arg14[%get3A_287, %get3A_288] {strides = array<i32>} : memref<128x128xf32, #tpu.memory_space<vmem>>, vector<16xf32>,
          %mul3A_290 = arith.mulf %get3A_289, %gather3A_279 : vector<16xf32>
          %swap3A_291 = arith.index_cast %add3A_277 : i32 to index
          %swap3A_292 = arith.constant 16 : index
          %swap3A_293 = tpu.vector_load %arg14[%swap3A_291, %swap3A_292] {strides = array<i32>} : memref<128x128xf32, #tpu.memory_space<vmem>>, vector<16xf32>,
          tpu.vector_store %arg14[%swap3A_291, %swap3A_292], %mul3A_290 {strides = array<i32>} : memref<128x128xf32, #tpu.memory_space<vmem>>, vector<16xf32>,
          %get3A_294 = arith.index_cast %add3A_277 : i32 to index
          %get3A_295 = arith.constant 32 : index
          %get3A_296 = tpu.vector_load %arg14[%get3A_294, %get3A_295] {strides = array<i32>} : memref<128x128xf32, #tpu.memory_space<vmem>>, vector<16xf32>,
          %mul3A_297 = arith.mulf %get3A_296, %gather3A_279 : vector<16xf32>
          %swap3A_298 = arith.index_cast %add3A_277 : i32 to index
          %swap3A_299 = arith.constant 32 : index
          %swap3A_300 = tpu.vector_load %arg14[%swap3A_298, %swap3A_299] {strides = array<i32>} : memref<128x128xf32, #tpu.memory_space<vmem>>, vector<16xf32>,
          tpu.vector_store %arg14[%swap3A_298, %swap3A_299], %mul3A_297 {strides = array<i32>} : memref<128x128xf32, #tpu.memory_space<vmem>>, vector<16xf32>,
          %get3A_301 = arith.index_cast %add3A_277 : i32 to index
          %get3A_302 = arith.constant 48 : index
          %get3A_303 = tpu.vector_load %arg14[%get3A_301, %get3A_302] {strides = array<i32>} : memref<128x128xf32, #tpu.memory_space<vmem>>, vector<16xf32>,
          %mul3A_304 = arith.mulf %get3A_303, %gather3A_279 : vector<16xf32>
          %swap3A_305 = arith.index_cast %add3A_277 : i32 to index
          %swap3A_306 = arith.constant 48 : index
          %swap3A_307 = tpu.vector_load %arg14[%swap3A_305, %swap3A_306] {strides = array<i32>} : memref<128x128xf32, #tpu.memory_space<vmem>>, vector<16xf32>,
          tpu.vector_store %arg14[%swap3A_305, %swap3A_306], %mul3A_304 {strides = array<i32>} : memref<128x128xf32, #tpu.memory_space<vmem>>, vector<16xf32>,
          %get3A_308 = arith.index_cast %add3A_277 : i32 to index
          %get3A_309 = arith.constant 64 : index
          %get3A_310 = tpu.vector_load %arg14[%get3A_308, %get3A_309] {strides = array<i32>} : memref<128x128xf32, #tpu.memory_space<vmem>>, vector<16xf32>,
          %mul3A_311 = arith.mulf %get3A_310, %gather3A_279 : vector<16xf32>
          %swap3A_312 = arith.index_cast %add3A_277 : i32 to index
          %swap3A_313 = arith.constant 64 : index
          %swap3A_314 = tpu.vector_load %arg14[%swap3A_312, %swap3A_313] {strides = array<i32>} : memref<128x128xf32, #tpu.memory_space<vmem>>, vector<16xf32>,
          tpu.vector_store %arg14[%swap3A_312, %swap3A_313], %mul3A_311 {strides = array<i32>} : memref<128x128xf32, #tpu.memory_space<vmem>>, vector<16xf32>,
          %get3A_315 = arith.index_cast %add3A_277 : i32 to index
          %get3A_316 = arith.constant 80 : index
          %get3A_317 = tpu.vector_load %arg14[%get3A_315, %get3A_316] {strides = array<i32>} : memref<128x128xf32, #tpu.memory_space<vmem>>, vector<16xf32>,
          %mul3A_318 = arith.mulf %get3A_317, %gather3A_279 : vector<16xf32>
          %swap3A_319 = arith.index_cast %add3A_277 : i32 to index
          %swap3A_320 = arith.constant 80 : index
          %swap3A_321 = tpu.vector_load %arg14[%swap3A_319, %swap3A_320] {strides = array<i32>} : memref<128x128xf32, #tpu.memory_space<vmem>>, vector<16xf32>,
          tpu.vector_store %arg14[%swap3A_319, %swap3A_320], %mul3A_318 {strides = array<i32>} : memref<128x128xf32, #tpu.memory_space<vmem>>, vector<16xf32>,
          %get3A_322 = arith.index_cast %add3A_277 : i32 to index
          %get3A_323 = arith.constant 96 : index
          %get3A_324 = tpu.vector_load %arg14[%get3A_322, %get3A_323] {strides = array<i32>} : memref<128x128xf32, #tpu.memory_space<vmem>>, vector<16xf32>,
          %mul3A_325 = arith.mulf %get3A_324, %gather3A_279 : vector<16xf32>
          %swap3A_326 = arith.index_cast %add3A_277 : i32 to index
          %swap3A_327 = arith.constant 96 : index
          %swap3A_328 = tpu.vector_load %arg14[%swap3A_326, %swap3A_327] {strides = array<i32>} : memref<128x128xf32, #tpu.memory_space<vmem>>, vector<16xf32>,
          tpu.vector_store %arg14[%swap3A_326, %swap3A_327], %mul3A_325 {strides = array<i32>} : memref<128x128xf32, #tpu.memory_space<vmem>>, vector<16xf32>,
          %get3A_329 = arith.index_cast %add3A_277 : i32 to index
          %get3A_330 = arith.constant 112 : index
          %get3A_331 = tpu.vector_load %arg14[%get3A_329, %get3A_330] {strides = array<i32>} : memref<128x128xf32, #tpu.memory_space<vmem>>, vector<16xf32>,
          %mul3A_332 = arith.mulf %get3A_331, %gather3A_279 : vector<16xf32>
          %swap3A_333 = arith.index_cast %add3A_277 : i32 to index
          %swap3A_334 = arith.constant 112 : index
          %swap3A_335 = tpu.vector_load %arg14[%swap3A_333, %swap3A_334] {strides = array<i32>} : memref<128x128xf32, #tpu.memory_space<vmem>>, vector<16xf32>,
          tpu.vector_store %arg14[%swap3A_333, %swap3A_334], %mul3A_332 {strides = array<i32>} : memref<128x128xf32, #tpu.memory_space<vmem>>, vector<16xf32>,
          %mul3A_336 = arith.constant 4 : i32
          %mul3A_337 = arith.muli %scan3A_151, %mul3A_336 : i32
          %add3A_338 = arith.constant 3 : i32
          %add3A_339 = arith.addi %mul3A_337, %add3A_338 : i32
          %broadcast_in_dim3A_340 = vector.broadcast %add3A_339 : i32 to vector<16xi32>
          %gather3A_341 = tpu.vector_load_idx %arg12[%broadcast_in_dim3A_340] : memref<128xf32, #tpu.memory_space<vmem>>[vector<16xi32>], vector<16xf32>,
          %get3A_342 = arith.index_cast %add3A_339 : i32 to index
          %get3A_343 = arith.constant 0 : index
          %get3A_344 = tpu.vector_load %arg14[%get3A_342, %get3A_343] {strides = array<i32>} : memref<128x128xf32, #tpu.memory_space<vmem>>, vector<16xf32>,
          %mul3A_345 = arith.mulf %get3A_344, %gather3A_341 : vector<16xf32>
          %swap3A_346 = arith.index_cast %add3A_339 : i32 to index
          %swap3A_347 = arith.constant 0 : index
          %swap3A_348 = tpu.vector_load %arg14[%swap3A_346, %swap3A_347] {strides = array<i32>} : memref<128x128xf32, #tpu.memory_space<vmem>>, vector<16xf32>,
          tpu.vector_store %arg14[%swap3A_346, %swap3A_347], %mul3A_345 {strides = array<i32>} : memref<128x128xf32, #tpu.memory_space<vmem>>, vector<16xf32>,
          %get3A_349 = arith.index_cast %add3A_339 : i32 to index
          %get3A_350 = arith.constant 16 : index
          %get3A_351 = tpu.vector_load %arg14[%get3A_349, %get3A_350] {strides = array<i32>} : memref<128x128xf32, #tpu.memory_space<vmem>>, vector<16xf32>,
          %mul3A_352 = arith.mulf %get3A_351, %gather3A_341 : vector<16xf32>
          %swap3A_353 = arith.index_cast %add3A_339 : i32 to index
          %swap3A_354 = arith.constant 16 : index
          %swap3A_355 = tpu.vector_load %arg14[%swap3A_353, %swap3A_354] {strides = array<i32>} : memref<128x128xf32, #tpu.memory_space<vmem>>, vector<16xf32>,
          tpu.vector_store %arg14[%swap3A_353, %swap3A_354], %mul3A_352 {strides = array<i32>} : memref<128x128xf32, #tpu.memory_space<vmem>>, vector<16xf32>,
          %get3A_356 = arith.index_cast %add3A_339 : i32 to index
          %get3A_357 = arith.constant 32 : index
          %get3A_358 = tpu.vector_load %arg14[%get3A_356, %get3A_357] {strides = array<i32>} : memref<128x128xf32, #tpu.memory_space<vmem>>, vector<16xf32>,
          %mul3A_359 = arith.mulf %get3A_358, %gather3A_341 : vector<16xf32>
          %swap3A_360 = arith.index_cast %add3A_339 : i32 to index
          %swap3A_361 = arith.constant 32 : index
          %swap3A_362 = tpu.vector_load %arg14[%swap3A_360, %swap3A_361] {strides = array<i32>} : memref<128x128xf32, #tpu.memory_space<vmem>>, vector<16xf32>,
          tpu.vector_store %arg14[%swap3A_360, %swap3A_361], %mul3A_359 {strides = array<i32>} : memref<128x128xf32, #tpu.memory_space<vmem>>, vector<16xf32>,
          %get3A_363 = arith.index_cast %add3A_339 : i32 to index
          %get3A_364 = arith.constant 48 : index
          %get3A_365 = tpu.vector_load %arg14[%get3A_363, %get3A_364] {strides = array<i32>} : memref<128x128xf32, #tpu.memory_space<vmem>>, vector<16xf32>,
          %mul3A_366 = arith.mulf %get3A_365, %gather3A_341 : vector<16xf32>
          %swap3A_367 = arith.index_cast %add3A_339 : i32 to index
          %swap3A_368 = arith.constant 48 : index
          %swap3A_369 = tpu.vector_load %arg14[%swap3A_367, %swap3A_368] {strides = array<i32>} : memref<128x128xf32, #tpu.memory_space<vmem>>, vector<16xf32>,
          tpu.vector_store %arg14[%swap3A_367, %swap3A_368], %mul3A_366 {strides = array<i32>} : memref<128x128xf32, #tpu.memory_space<vmem>>, vector<16xf32>,
          %get3A_370 = arith.index_cast %add3A_339 : i32 to index
          %get3A_371 = arith.constant 64 : index
          %get3A_372 = tpu.vector_load %arg14[%get3A_370, %get3A_371] {strides = array<i32>} : memref<128x128xf32, #tpu.memory_space<vmem>>, vector<16xf32>,
          %mul3A_373 = arith.mulf %get3A_372, %gather3A_341 : vector<16xf32>
          %swap3A_374 = arith.index_cast %add3A_339 : i32 to index
          %swap3A_375 = arith.constant 64 : index
          %swap3A_376 = tpu.vector_load %arg14[%swap3A_374, %swap3A_375] {strides = array<i32>} : memref<128x128xf32, #tpu.memory_space<vmem>>, vector<16xf32>,
          tpu.vector_store %arg14[%swap3A_374, %swap3A_375], %mul3A_373 {strides = array<i32>} : memref<128x128xf32, #tpu.memory_space<vmem>>, vector<16xf32>,
          %get3A_377 = arith.index_cast %add3A_339 : i32 to index
          %get3A_378 = arith.constant 80 : index
          %get3A_379 = tpu.vector_load %arg14[%get3A_377, %get3A_378] {strides = array<i32>} : memref<128x128xf32, #tpu.memory_space<vmem>>, vector<16xf32>,
          %mul3A_380 = arith.mulf %get3A_379, %gather3A_341 : vector<16xf32>
          %swap3A_381 = arith.index_cast %add3A_339 : i32 to index
          %swap3A_382 = arith.constant 80 : index
          %swap3A_383 = tpu.vector_load %arg14[%swap3A_381, %swap3A_382] {strides = array<i32>} : memref<128x128xf32, #tpu.memory_space<vmem>>, vector<16xf32>,
          tpu.vector_store %arg14[%swap3A_381, %swap3A_382], %mul3A_380 {strides = array<i32>} : memref<128x128xf32, #tpu.memory_space<vmem>>, vector<16xf32>,
          %get3A_384 = arith.index_cast %add3A_339 : i32 to index
          %get3A_385 = arith.constant 96 : index
          %get3A_386 = tpu.vector_load %arg14[%get3A_384, %get3A_385] {strides = array<i32>} : memref<128x128xf32, #tpu.memory_space<vmem>>, vector<16xf32>,
          %mul3A_387 = arith.mulf %get3A_386, %gather3A_341 : vector<16xf32>
          %swap3A_388 = arith.index_cast %add3A_339 : i32 to index
          %swap3A_389 = arith.constant 96 : index
          %swap3A_390 = tpu.vector_load %arg14[%swap3A_388, %swap3A_389] {strides = array<i32>} : memref<128x128xf32, #tpu.memory_space<vmem>>, vector<16xf32>,
          tpu.vector_store %arg14[%swap3A_388, %swap3A_389], %mul3A_387 {strides = array<i32>} : memref<128x128xf32, #tpu.memory_space<vmem>>, vector<16xf32>,
          %get3A_391 = arith.index_cast %add3A_339 : i32 to index
          %get3A_392 = arith.constant 112 : index
          %get3A_393 = tpu.vector_load %arg14[%get3A_391, %get3A_392] {strides = array<i32>} : memref<128x128xf32, #tpu.memory_space<vmem>>, vector<16xf32>,
          %mul3A_394 = arith.mulf %get3A_393, %gather3A_341 : vector<16xf32>
          %swap3A_395 = arith.index_cast %add3A_339 : i32 to index
          %swap3A_396 = arith.constant 112 : index
          %swap3A_397 = tpu.vector_load %arg14[%swap3A_395, %swap3A_396] {strides = array<i32>} : memref<128x128xf32, #tpu.memory_space<vmem>>, vector<16xf32>,
          tpu.vector_store %arg14[%swap3A_395, %swap3A_396], %mul3A_394 {strides = array<i32>} : memref<128x128xf32, #tpu.memory_space<vmem>>, vector<16xf32>,
        }
        %scan3A_147 = arith.constant 32 : i32
        %dma_start3A_148 = arith.constant 0 : i32
        %dma_start3A_149 = arith.constant 0 : i32
        %dma_start3A_150 = tpu.memref_slice %arg15[%dma_start3A_148, %dma_start3A_149] : memref<10240x128xf32, #tpu.memory_space<vmem_shared>> -> memref<10240x128xf32, #tpu.memory_space<vmem_shared>>
        tpu.enqueue_indirect_dma source(%arg14 : memref<128x128xf32, #tpu.memory_space<vmem>>) target(%dma_start3A_150 : memref<10240x128xf32, #tpu.memory_space<vmem_shared>>) offsets(%arg10 : memref<128xi32, #tpu.memory_space<vmem>>) semaphore(%arg19 : memref<!tpu.dma_semaphore, #tpu.memory_space<semaphore_mem>>) {add = true}
      } else {
      }
    }
    %scan3A_82 = arith.constant 40 : i32
    %dma_wait3A_83 = arith.constant 0 : i32
    %dma_wait3A_84 = arith.constant 0 : i32
    %dma_wait3A_85 = tpu.memref_slice %arg2[%dma_wait3A_83, %dma_wait3A_84] : memref<10000x128xf32, #tpu.memory_space<hbm>> -> memref<128x128xf32, #tpu.memory_space<hbm>>
    %dma_wait3A_86 = arith.constant 0 : i32
    %dma_wait3A_87 = arith.constant 0 : i32
    %dma_wait3A_88 = tpu.memref_slice %arg2[%dma_wait3A_86, %dma_wait3A_87] : memref<10000x128xf32, #tpu.memory_space<hbm>> -> memref<128x128xf32, #tpu.memory_space<hbm>>
    tpu.wait_dma2 semaphore(%arg18 : memref<!tpu.dma_semaphore, #tpu.memory_space<semaphore_mem>>) src(%dma_wait3A_88 : memref<128x128xf32, #tpu.memory_space<hbm>>) dst(%arg13 : memref<128x128xf32, #tpu.memory_space<vmem>>)
    %dma_wait3A_89 = arith.constant 0 : i32
    %dma_wait3A_90 = arith.constant 0 : i32
    %dma_wait3A_91 = tpu.memref_slice %arg2[%dma_wait3A_89, %dma_wait3A_90] : memref<10000x128xf32, #tpu.memory_space<hbm>> -> memref<128x128xf32, #tpu.memory_space<hbm>>
    %dma_wait3A_92 = arith.constant 0 : i32
    %dma_wait3A_93 = arith.constant 0 : i32
    %dma_wait3A_94 = tpu.memref_slice %arg2[%dma_wait3A_92, %dma_wait3A_93] : memref<10000x128xf32, #tpu.memory_space<hbm>> -> memref<128x128xf32, #tpu.memory_space<hbm>>
    tpu.wait_dma2 semaphore(%arg19 : memref<!tpu.dma_semaphore, #tpu.memory_space<semaphore_mem>>) src(%dma_wait3A_94 : memref<128x128xf32, #tpu.memory_space<hbm>>) dst(%arg14 : memref<128x128xf32, #tpu.memory_space<vmem>>)
    %barrier3A_95 = arith.constant 0 : index
    tpu.barrier barrier_id(%barrier3A_95)
    %mul3A_96 = arith.constant 640 : i32
    %mul3A_97 = arith.muli %arg1, %mul3A_96 : i32
    %mul3A_98 = arith.constant 640 : i32
    %mul3A_99 = arith.muli %arg1, %mul3A_98 : i32
    "tpu.region"() ({
      %run_scoped3A = tpu.sem_alloc : memref<!tpu.dma_semaphore, #tpu.memory_space<semaphore_mem>>
      %dma_start3A_100 = arith.constant 0 : i32
      %dma_start3A_101 = tpu.memref_slice %arg6[%arg0, %mul3A_99, %dma_start3A_100] : memref<2x10240x128xf32, #tpu.memory_space<hbm>> -> memref<1x640x128xf32, #tpu.memory_space<hbm>>
      %dma_start3A_102 = tpu.memref_squeeze %dma_start3A_101 : memref<1x640x128xf32, #tpu.memory_space<hbm>> -> memref<640x128xf32, #tpu.memory_space<hbm>>
      %dma_start3A_103 = arith.constant 0 : i32
      %dma_start3A_104 = tpu.memref_slice %arg15[%mul3A_97, %dma_start3A_103] : memref<10240x128xf32, #tpu.memory_space<vmem_shared>> -> memref<640x128xf32, #tpu.memory_space<vmem_shared>>
      tpu.enqueue_dma source(%dma_start3A_104 : memref<640x128xf32, #tpu.memory_space<vmem_shared>>) target(%dma_start3A_102 : memref<640x128xf32, #tpu.memory_space<hbm>>) target_semaphore(%run_scoped3A : memref<!tpu.dma_semaphore, #tpu.memory_space<semaphore_mem>>)
      %dma_wait3A_105 = arith.constant 0 : i32
      %dma_wait3A_106 = tpu.memref_slice %arg6[%arg0, %mul3A_99, %dma_wait3A_105] : memref<2x10240x128xf32, #tpu.memory_space<hbm>> -> memref<1x640x128xf32, #tpu.memory_space<hbm>>
      %dma_wait3A_107 = tpu.memref_squeeze %dma_wait3A_106 : memref<1x640x128xf32, #tpu.memory_space<hbm>> -> memref<640x128xf32, #tpu.memory_space<hbm>>
      %dma_wait3A_108 = arith.constant 0 : i32
      %dma_wait3A_109 = tpu.memref_slice %arg15[%mul3A_97, %dma_wait3A_108] : memref<10240x128xf32, #tpu.memory_space<vmem_shared>> -> memref<640x128xf32, #tpu.memory_space<vmem_shared>>
      tpu.wait_dma2 semaphore(%run_scoped3A : memref<!tpu.dma_semaphore, #tpu.memory_space<semaphore_mem>>) src(%dma_wait3A_109 : memref<640x128xf32, #tpu.memory_space<vmem_shared>>) dst(%dma_wait3A_107 : memref<640x128xf32, #tpu.memory_space<hbm>>)
      tpu.yield
    }) : () -> ()
    return
  }
}

#map = affine_map<(d0, d1) -> (0)>
module attributes {stable_mosaic.version = 14 : i64} {
  func.func @k(%arg0: i32, %arg1: i32, %arg2: memref<323584xi32, #tpu.memory_space<hbm>>, %arg3: memref<323584xi32, #tpu.memory_space<hbm>>, %arg4: memref<10000xf32, #tpu.memory_space<hbm>>, %arg5: memref<10000xf32, #tpu.memory_space<hbm>>, %arg6: memref<323584xf32, #tpu.memory_space<hbm>>, %arg7: memref<20480xf32, #tpu.memory_space<hbm>>, %arg8: memref<10112xi32, #tpu.memory_space<vmem>>, %arg9: memref<10112xi32, #tpu.memory_space<vmem>>, %arg10: memref<10000xf32, #tpu.memory_space<vmem>>, %arg11: memref<10000xf32, #tpu.memory_space<vmem>>, %arg12: memref<10112xf32, #tpu.memory_space<vmem>>, %arg13: memref<128xi32, #tpu.memory_space<vmem>>, %arg14: memref<10240xf32, #tpu.memory_space<vmem>>, %arg15: memref<10240xf32, #tpu.memory_space<vmem_shared>>) attributes {dimension_semantics = [#tpu.dimension_semantics<core_parallel>, #tpu.dimension_semantics<subcore_parallel>], iteration_bounds = array<i64: 2, 16>, scalar_prefetch = 0 : i64, scratch_operands = 8 : i64, tpu.core_type = #tpu.core_type<sc_vector_subcore>, window_params = [{transform_indices = #map}, {transform_indices = #map}, {transform_indices = #map}, {transform_indices = #map}, {transform_indices = #map}, {transform_indices = #map}]} {
    %mul3A = arith.constant 2 : i32
    %mul3A_0 = arith.muli %arg1, %mul3A : i32
    %add3A = arith.addi %mul3A_0, %arg0 : i32
    %mul3A_1 = arith.constant 10112 : i32
    %mul3A_2 = arith.muli %add3A, %mul3A_1 : i32
    "tpu.region"() ({
      %run_scoped3A = tpu.sem_alloc : memref<!tpu.dma_semaphore, #tpu.memory_space<semaphore_mem>>
      %dma_start3A = tpu.memref_slice %arg2[%mul3A_2] : memref<323584xi32, #tpu.memory_space<hbm>> -> memref<10112xi32, #tpu.memory_space<hbm>>
      %dma_start3A_29 = tpu.memref_slice %arg2[%mul3A_2] : memref<323584xi32, #tpu.memory_space<hbm>> -> memref<10112xi32, #tpu.memory_space<hbm>>
      tpu.enqueue_dma source(%dma_start3A_29 : memref<10112xi32, #tpu.memory_space<hbm>>) target(%arg8 : memref<10112xi32, #tpu.memory_space<vmem>>) target_semaphore(%run_scoped3A : memref<!tpu.dma_semaphore, #tpu.memory_space<semaphore_mem>>)
      %dma_wait3A = tpu.memref_slice %arg2[%mul3A_2] : memref<323584xi32, #tpu.memory_space<hbm>> -> memref<10112xi32, #tpu.memory_space<hbm>>
      %dma_wait3A_30 = tpu.memref_slice %arg2[%mul3A_2] : memref<323584xi32, #tpu.memory_space<hbm>> -> memref<10112xi32, #tpu.memory_space<hbm>>
      tpu.wait_dma2 semaphore(%run_scoped3A : memref<!tpu.dma_semaphore, #tpu.memory_space<semaphore_mem>>) src(%dma_wait3A_30 : memref<10112xi32, #tpu.memory_space<hbm>>) dst(%arg8 : memref<10112xi32, #tpu.memory_space<vmem>>)
      tpu.yield
    }) : () -> ()
    "tpu.region"() ({
      %run_scoped3A = tpu.sem_alloc : memref<!tpu.dma_semaphore, #tpu.memory_space<semaphore_mem>>
      %dma_start3A = tpu.memref_slice %arg3[%mul3A_2] : memref<323584xi32, #tpu.memory_space<hbm>> -> memref<10112xi32, #tpu.memory_space<hbm>>
      %dma_start3A_29 = tpu.memref_slice %arg3[%mul3A_2] : memref<323584xi32, #tpu.memory_space<hbm>> -> memref<10112xi32, #tpu.memory_space<hbm>>
      tpu.enqueue_dma source(%dma_start3A_29 : memref<10112xi32, #tpu.memory_space<hbm>>) target(%arg9 : memref<10112xi32, #tpu.memory_space<vmem>>) target_semaphore(%run_scoped3A : memref<!tpu.dma_semaphore, #tpu.memory_space<semaphore_mem>>)
      %dma_wait3A = tpu.memref_slice %arg3[%mul3A_2] : memref<323584xi32, #tpu.memory_space<hbm>> -> memref<10112xi32, #tpu.memory_space<hbm>>
      %dma_wait3A_30 = tpu.memref_slice %arg3[%mul3A_2] : memref<323584xi32, #tpu.memory_space<hbm>> -> memref<10112xi32, #tpu.memory_space<hbm>>
      tpu.wait_dma2 semaphore(%run_scoped3A : memref<!tpu.dma_semaphore, #tpu.memory_space<semaphore_mem>>) src(%dma_wait3A_30 : memref<10112xi32, #tpu.memory_space<hbm>>) dst(%arg9 : memref<10112xi32, #tpu.memory_space<vmem>>)
      tpu.yield
    }) : () -> ()
    "tpu.region"() ({
      %run_scoped3A = tpu.sem_alloc : memref<!tpu.dma_semaphore, #tpu.memory_space<semaphore_mem>>
      tpu.enqueue_dma source(%arg4 : memref<10000xf32, #tpu.memory_space<hbm>>) target(%arg10 : memref<10000xf32, #tpu.memory_space<vmem>>) target_semaphore(%run_scoped3A : memref<!tpu.dma_semaphore, #tpu.memory_space<semaphore_mem>>)
      tpu.wait_dma2 semaphore(%run_scoped3A : memref<!tpu.dma_semaphore, #tpu.memory_space<semaphore_mem>>) src(%arg4 : memref<10000xf32, #tpu.memory_space<hbm>>) dst(%arg10 : memref<10000xf32, #tpu.memory_space<vmem>>)
      tpu.yield
    }) : () -> ()
    "tpu.region"() ({
      %run_scoped3A = tpu.sem_alloc : memref<!tpu.dma_semaphore, #tpu.memory_space<semaphore_mem>>
      tpu.enqueue_dma source(%arg5 : memref<10000xf32, #tpu.memory_space<hbm>>) target(%arg11 : memref<10000xf32, #tpu.memory_space<vmem>>) target_semaphore(%run_scoped3A : memref<!tpu.dma_semaphore, #tpu.memory_space<semaphore_mem>>)
      tpu.wait_dma2 semaphore(%run_scoped3A : memref<!tpu.dma_semaphore, #tpu.memory_space<semaphore_mem>>) src(%arg5 : memref<10000xf32, #tpu.memory_space<hbm>>) dst(%arg11 : memref<10000xf32, #tpu.memory_space<vmem>>)
      tpu.yield
    }) : () -> ()
    %broadcast_in_dim3A = arith.constant 0.000000e+00 : f32
    %broadcast_in_dim3A_3 = vector.broadcast %broadcast_in_dim3A : f32 to vector<16xf32>
    %scan3A = arith.constant 0 : i32
    %scan3A_4 = arith.constant 0 : i32
    %scan3A_5 = arith.constant 640 : i32
    %scan3A_6 = arith.addi %scan3A_4, %scan3A_5 : i32
    %scan3A_7 = arith.constant 1 : i32
    scf.for %scan3A_29 = %scan3A_4 to %scan3A_6 step %scan3A_7  : i32 {
      %mul3A_30 = arith.constant 16 : i32
      %mul3A_31 = arith.muli %scan3A_29, %mul3A_30 : i32
      %swap3A = arith.index_cast %mul3A_31 : i32 to index
      %swap3A_32 = tpu.vector_load %arg14[%swap3A] {strides = array<i32>} : memref<10240xf32, #tpu.memory_space<vmem>>, vector<16xf32>,
      tpu.vector_store %arg14[%swap3A], %broadcast_in_dim3A_3 {strides = array<i32>} : memref<10240xf32, #tpu.memory_space<vmem>>, vector<16xf32>,
    }
    %scan3A_8 = arith.constant 640 : i32
    %iota3A = tpu.iota {dimensions = array<i32: 0>} : vector<16xi32>
    %scan3A_9 = arith.constant 0 : i32
    %scan3A_10 = arith.constant 0 : i32
    %scan3A_11 = arith.constant 632 : i32
    %scan3A_12 = arith.addi %scan3A_10, %scan3A_11 : i32
    %scan3A_13 = arith.constant 1 : i32
    scf.for %scan3A_29 = %scan3A_10 to %scan3A_12 step %scan3A_13  : i32 {
      %mul3A_30 = arith.constant 16 : i32
      %mul3A_31 = arith.muli %scan3A_29, %mul3A_30 : i32
      %get3A = arith.index_cast %mul3A_31 : i32 to index
      %get3A_32 = tpu.vector_load %arg8[%get3A] {strides = array<i32>} : memref<10112xi32, #tpu.memory_space<vmem>>, vector<16xi32>,
      %gather3A = tpu.vector_load_idx %arg10[%get3A_32] : memref<10000xf32, #tpu.memory_space<vmem>>[vector<16xi32>], vector<16xf32>,
      %get3A_33 = arith.index_cast %mul3A_31 : i32 to index
      %get3A_34 = tpu.vector_load %arg9[%get3A_33] {strides = array<i32>} : memref<10112xi32, #tpu.memory_space<vmem>>, vector<16xi32>,
      %gather3A_35 = tpu.vector_load_idx %arg11[%get3A_34] : memref<10000xf32, #tpu.memory_space<vmem>>[vector<16xi32>], vector<16xf32>,
      %add3A_36 = arith.addf %gather3A, %gather3A_35 : vector<16xf32>
      %mul3A_37 = arith.constant 0.00999999977 : f32
      %mul3A_38 = vector.broadcast %mul3A_37 : f32 to vector<16xf32>
      %mul3A_39 = arith.mulf %mul3A_38, %add3A_36 : vector<16xf32>
      %max3A = arith.maximumf %add3A_36, %mul3A_39 : vector<16xf32>
      %exp3A = math.exp %max3A : vector<16xf32>
      %mul3A_40 = arith.constant 16 : i32
      %mul3A_41 = arith.muli %scan3A_29, %mul3A_40 : i32
      %add3A_42 = arith.addi %mul3A_2, %mul3A_41 : i32
      %add3A_43 = vector.broadcast %add3A_42 : i32 to vector<16xi32>
      %add3A_44 = arith.addi %add3A_43, %iota3A : vector<16xi32>
      %lt3A = arith.constant 320000 : i32
      %lt3A_45 = vector.broadcast %lt3A : i32 to vector<16xi32>
      %lt3A_46 = arith.cmpi slt, %add3A_44, %lt3A_45 : vector<16xi32>
      %jit3A = arith.constant 0.000000e+00 : f32
      %broadcast_in_dim3A_47 = vector.broadcast %jit3A : f32 to vector<16xf32>
      %select_n3A = arith.select %lt3A_46, %exp3A, %broadcast_in_dim3A_47 : vector<16xi1>, vector<16xf32>
      %swap3A = arith.index_cast %mul3A_31 : i32 to index
      %swap3A_48 = tpu.vector_load %arg12[%swap3A] {strides = array<i32>} : memref<10112xf32, #tpu.memory_space<vmem>>, vector<16xf32>,
      tpu.vector_store %arg12[%swap3A], %select_n3A {strides = array<i32>} : memref<10112xf32, #tpu.memory_space<vmem>>, vector<16xf32>,
    }
    %scan3A_14 = arith.constant 632 : i32
    %eq3A = arith.constant 0 : i32
    %eq3A_15 = arith.cmpi eq, %arg1, %eq3A : i32
    %convert_element_type3A = arith.extui %eq3A_15 : i1 to i32
    %cond3A = arith.constant 0 : i32
    %cond3A_16 = arith.cmpi ne, %convert_element_type3A, %cond3A : i32
    scf.if %cond3A_16 {
      "tpu.region"() ({
        %run_scoped3A = tpu.sem_alloc : memref<!tpu.dma_semaphore, #tpu.memory_space<semaphore_mem>>
        tpu.enqueue_dma source(%arg14 : memref<10240xf32, #tpu.memory_space<vmem>>) target(%arg15 : memref<10240xf32, #tpu.memory_space<vmem_shared>>) target_semaphore(%run_scoped3A : memref<!tpu.dma_semaphore, #tpu.memory_space<semaphore_mem>>)
        tpu.wait_dma2 semaphore(%run_scoped3A : memref<!tpu.dma_semaphore, #tpu.memory_space<semaphore_mem>>) src(%arg14 : memref<10240xf32, #tpu.memory_space<vmem>>) dst(%arg15 : memref<10240xf32, #tpu.memory_space<vmem_shared>>)
        tpu.yield
      }) : () -> ()
    } else {
    }
    %barrier3A = arith.constant 0 : index
    tpu.barrier barrier_id(%barrier3A)
    %scan3A_17 = arith.constant 0 : i32
    %scan3A_18 = arith.constant 0 : i32
    %scan3A_19 = arith.constant 79 : i32
    %scan3A_20 = arith.addi %scan3A_18, %scan3A_19 : i32
    %scan3A_21 = arith.constant 1 : i32
    scf.for %scan3A_29 = %scan3A_18 to %scan3A_20 step %scan3A_21  : i32 {
      %mul3A_30 = arith.constant 128 : i32
      %mul3A_31 = arith.muli %scan3A_29, %mul3A_30 : i32
      %add3A_32 = arith.constant 0 : i32
      %add3A_33 = arith.addi %mul3A_31, %add3A_32 : i32
      %get3A = arith.index_cast %add3A_33 : i32 to index
      %get3A_34 = tpu.vector_load %arg9[%get3A] {strides = array<i32>} : memref<10112xi32, #tpu.memory_space<vmem>>, vector<16xi32>,
      %swap3A = arith.constant 0 : index
      %swap3A_35 = tpu.vector_load %arg13[%swap3A] {strides = array<i32>} : memref<128xi32, #tpu.memory_space<vmem>>, vector<16xi32>,
      tpu.vector_store %arg13[%swap3A], %get3A_34 {strides = array<i32>} : memref<128xi32, #tpu.memory_space<vmem>>, vector<16xi32>,
      %add3A_36 = arith.constant 16 : i32
      %add3A_37 = arith.addi %mul3A_31, %add3A_36 : i32
      %get3A_38 = arith.index_cast %add3A_37 : i32 to index
      %get3A_39 = tpu.vector_load %arg9[%get3A_38] {strides = array<i32>} : memref<10112xi32, #tpu.memory_space<vmem>>, vector<16xi32>,
      %swap3A_40 = arith.constant 16 : index
      %swap3A_41 = tpu.vector_load %arg13[%swap3A_40] {strides = array<i32>} : memref<128xi32, #tpu.memory_space<vmem>>, vector<16xi32>,
      tpu.vector_store %arg13[%swap3A_40], %get3A_39 {strides = array<i32>} : memref<128xi32, #tpu.memory_space<vmem>>, vector<16xi32>,
      %add3A_42 = arith.constant 32 : i32
      %add3A_43 = arith.addi %mul3A_31, %add3A_42 : i32
      %get3A_44 = arith.index_cast %add3A_43 : i32 to index
      %get3A_45 = tpu.vector_load %arg9[%get3A_44] {strides = array<i32>} : memref<10112xi32, #tpu.memory_space<vmem>>, vector<16xi32>,
      %swap3A_46 = arith.constant 32 : index
      %swap3A_47 = tpu.vector_load %arg13[%swap3A_46] {strides = array<i32>} : memref<128xi32, #tpu.memory_space<vmem>>, vector<16xi32>,
      tpu.vector_store %arg13[%swap3A_46], %get3A_45 {strides = array<i32>} : memref<128xi32, #tpu.memory_space<vmem>>, vector<16xi32>,
      %add3A_48 = arith.constant 48 : i32
      %add3A_49 = arith.addi %mul3A_31, %add3A_48 : i32
      %get3A_50 = arith.index_cast %add3A_49 : i32 to index
      %get3A_51 = tpu.vector_load %arg9[%get3A_50] {strides = array<i32>} : memref<10112xi32, #tpu.memory_space<vmem>>, vector<16xi32>,
      %swap3A_52 = arith.constant 48 : index
      %swap3A_53 = tpu.vector_load %arg13[%swap3A_52] {strides = array<i32>} : memref<128xi32, #tpu.memory_space<vmem>>, vector<16xi32>,
      tpu.vector_store %arg13[%swap3A_52], %get3A_51 {strides = array<i32>} : memref<128xi32, #tpu.memory_space<vmem>>, vector<16xi32>,
      %add3A_54 = arith.constant 64 : i32
      %add3A_55 = arith.addi %mul3A_31, %add3A_54 : i32
      %get3A_56 = arith.index_cast %add3A_55 : i32 to index
      %get3A_57 = tpu.vector_load %arg9[%get3A_56] {strides = array<i32>} : memref<10112xi32, #tpu.memory_space<vmem>>, vector<16xi32>,
      %swap3A_58 = arith.constant 64 : index
      %swap3A_59 = tpu.vector_load %arg13[%swap3A_58] {strides = array<i32>} : memref<128xi32, #tpu.memory_space<vmem>>, vector<16xi32>,
      tpu.vector_store %arg13[%swap3A_58], %get3A_57 {strides = array<i32>} : memref<128xi32, #tpu.memory_space<vmem>>, vector<16xi32>,
      %add3A_60 = arith.constant 80 : i32
      %add3A_61 = arith.addi %mul3A_31, %add3A_60 : i32
      %get3A_62 = arith.index_cast %add3A_61 : i32 to index
      %get3A_63 = tpu.vector_load %arg9[%get3A_62] {strides = array<i32>} : memref<10112xi32, #tpu.memory_space<vmem>>, vector<16xi32>,
      %swap3A_64 = arith.constant 80 : index
      %swap3A_65 = tpu.vector_load %arg13[%swap3A_64] {strides = array<i32>} : memref<128xi32, #tpu.memory_space<vmem>>, vector<16xi32>,
      tpu.vector_store %arg13[%swap3A_64], %get3A_63 {strides = array<i32>} : memref<128xi32, #tpu.memory_space<vmem>>, vector<16xi32>,
      %add3A_66 = arith.constant 96 : i32
      %add3A_67 = arith.addi %mul3A_31, %add3A_66 : i32
      %get3A_68 = arith.index_cast %add3A_67 : i32 to index
      %get3A_69 = tpu.vector_load %arg9[%get3A_68] {strides = array<i32>} : memref<10112xi32, #tpu.memory_space<vmem>>, vector<16xi32>,
      %swap3A_70 = arith.constant 96 : index
      %swap3A_71 = tpu.vector_load %arg13[%swap3A_70] {strides = array<i32>} : memref<128xi32, #tpu.memory_space<vmem>>, vector<16xi32>,
      tpu.vector_store %arg13[%swap3A_70], %get3A_69 {strides = array<i32>} : memref<128xi32, #tpu.memory_space<vmem>>, vector<16xi32>,
      %add3A_72 = arith.constant 112 : i32
      %add3A_73 = arith.addi %mul3A_31, %add3A_72 : i32
      %get3A_74 = arith.index_cast %add3A_73 : i32 to index
      %get3A_75 = tpu.vector_load %arg9[%get3A_74] {strides = array<i32>} : memref<10112xi32, #tpu.memory_space<vmem>>, vector<16xi32>,
      %swap3A_76 = arith.constant 112 : index
      %swap3A_77 = tpu.vector_load %arg13[%swap3A_76] {strides = array<i32>} : memref<128xi32, #tpu.memory_space<vmem>>, vector<16xi32>,
      tpu.vector_store %arg13[%swap3A_76], %get3A_75 {strides = array<i32>} : memref<128xi32, #tpu.memory_space<vmem>>, vector<16xi32>,
      "tpu.region"() ({
        %run_scoped3A = tpu.sem_alloc : memref<!tpu.dma_semaphore, #tpu.memory_space<semaphore_mem>>
        %dma_start3A = tpu.memref_slice %arg12[%mul3A_31] : memref<10112xf32, #tpu.memory_space<vmem>> -> memref<128xf32, #tpu.memory_space<vmem>>
        %dma_start3A_78 = arith.constant 0 : i32
        %dma_start3A_79 = tpu.memref_slice %arg15[%dma_start3A_78] : memref<10240xf32, #tpu.memory_space<vmem_shared>> -> memref<10240xf32, #tpu.memory_space<vmem_shared>>
        tpu.enqueue_indirect_dma source(%dma_start3A : memref<128xf32, #tpu.memory_space<vmem>>) target(%dma_start3A_79 : memref<10240xf32, #tpu.memory_space<vmem_shared>>) offsets(%arg13 : memref<128xi32, #tpu.memory_space<vmem>>) semaphore(%run_scoped3A : memref<!tpu.dma_semaphore, #tpu.memory_space<semaphore_mem>>) {add = true}
        %dma_wait3A = tpu.memref_slice %arg12[%mul3A_31] : memref<10112xf32, #tpu.memory_space<vmem>> -> memref<128xf32, #tpu.memory_space<vmem>>
        %dma_wait3A_80 = arith.constant 0 : i32
        %dma_wait3A_81 = tpu.memref_slice %arg15[%dma_wait3A_80] : memref<10240xf32, #tpu.memory_space<vmem_shared>> -> memref<10240xf32, #tpu.memory_space<vmem_shared>>
        tpu.wait_indirect_dma semaphore(%run_scoped3A : memref<!tpu.dma_semaphore, #tpu.memory_space<semaphore_mem>>) src(%dma_wait3A : memref<128xf32, #tpu.memory_space<vmem>>) dst(%dma_wait3A_81 : memref<10240xf32, #tpu.memory_space<vmem_shared>>)
        tpu.yield
      }) : () -> ()
    }
    %scan3A_22 = arith.constant 79 : i32
    %barrier3A_23 = arith.constant 0 : index
    tpu.barrier barrier_id(%barrier3A_23)
    %eq3A_24 = arith.constant 0 : i32
    %eq3A_25 = arith.cmpi eq, %arg1, %eq3A_24 : i32
    %convert_element_type3A_26 = arith.extui %eq3A_25 : i1 to i32
    %cond3A_27 = arith.constant 0 : i32
    %cond3A_28 = arith.cmpi ne, %convert_element_type3A_26, %cond3A_27 : i32
    scf.if %cond3A_28 {
      %mul3A_29 = arith.constant 10240 : i32
      %mul3A_30 = arith.muli %arg0, %mul3A_29 : i32
      "tpu.region"() ({
        %run_scoped3A = tpu.sem_alloc : memref<!tpu.dma_semaphore, #tpu.memory_space<semaphore_mem>>
        %dma_start3A = tpu.memref_slice %arg7[%mul3A_30] : memref<20480xf32, #tpu.memory_space<hbm>> -> memref<10240xf32, #tpu.memory_space<hbm>>
        tpu.enqueue_dma source(%arg15 : memref<10240xf32, #tpu.memory_space<vmem_shared>>) target(%dma_start3A : memref<10240xf32, #tpu.memory_space<hbm>>) target_semaphore(%run_scoped3A : memref<!tpu.dma_semaphore, #tpu.memory_space<semaphore_mem>>)
        %dma_wait3A = tpu.memref_slice %arg7[%mul3A_30] : memref<20480xf32, #tpu.memory_space<hbm>> -> memref<10240xf32, #tpu.memory_space<hbm>>
        tpu.wait_dma2 semaphore(%run_scoped3A : memref<!tpu.dma_semaphore, #tpu.memory_space<semaphore_mem>>) src(%arg15 : memref<10240xf32, #tpu.memory_space<vmem_shared>>) dst(%dma_wait3A : memref<10240xf32, #tpu.memory_space<hbm>>)
        tpu.yield
      }) : () -> ()
    } else {
    }
    "tpu.region"() ({
      %run_scoped3A = tpu.sem_alloc : memref<!tpu.dma_semaphore, #tpu.memory_space<semaphore_mem>>
      %dma_start3A = tpu.memref_slice %arg6[%mul3A_2] : memref<323584xf32, #tpu.memory_space<hbm>> -> memref<10112xf32, #tpu.memory_space<hbm>>
      %dma_start3A_29 = tpu.memref_slice %arg6[%mul3A_2] : memref<323584xf32, #tpu.memory_space<hbm>> -> memref<10112xf32, #tpu.memory_space<hbm>>
      tpu.enqueue_dma source(%arg12 : memref<10112xf32, #tpu.memory_space<vmem>>) target(%dma_start3A_29 : memref<10112xf32, #tpu.memory_space<hbm>>) target_semaphore(%run_scoped3A : memref<!tpu.dma_semaphore, #tpu.memory_space<semaphore_mem>>)
      %dma_wait3A = tpu.memref_slice %arg6[%mul3A_2] : memref<323584xf32, #tpu.memory_space<hbm>> -> memref<10112xf32, #tpu.memory_space<hbm>>
      %dma_wait3A_30 = tpu.memref_slice %arg6[%mul3A_2] : memref<323584xf32, #tpu.memory_space<hbm>> -> memref<10112xf32, #tpu.memory_space<hbm>>
      tpu.wait_dma2 semaphore(%run_scoped3A : memref<!tpu.dma_semaphore, #tpu.memory_space<semaphore_mem>>) src(%arg12 : memref<10112xf32, #tpu.memory_space<vmem>>) dst(%dma_wait3A_30 : memref<10112xf32, #tpu.memory_space<hbm>>)
      tpu.yield
    }) : () -> ()
    return
  }
}

module attributes {stable_mosaic.version = 14 : i64} {
  func.func @_proj_body(%arg0: memref<10000x128xf32, #tpu.memory_space<vmem>>, %arg1: memref<128x128xf32, #tpu.memory_space<vmem>>, %arg2: memref<8x128xf32, #tpu.memory_space<vmem>>, %arg3: memref<10000x128xf32, #tpu.memory_space<vmem>>, %arg4: memref<8x10000xf32, #tpu.memory_space<vmem>>) attributes {dimension_semantics = [], scalar_prefetch = 0 : i64, scratch_operands = 0 : i64, tpu.core_type = #tpu.core_type<tc>} {
    %get3A = arith.constant 0 : index
    %get3A_0 = arith.constant 0 : index
    %get3A_1 = vector.load %arg0[%get3A, %get3A_0] : memref<10000x128xf32, #tpu.memory_space<vmem>>, vector<10000x128xf32>
    %get3A_2 = arith.constant 0 : index
    %get3A_3 = arith.constant 0 : index
    %get3A_4 = vector.load %arg1[%get3A_2, %get3A_3] : memref<128x128xf32, #tpu.memory_space<vmem>>, vector<128x128xf32>
    %dot_general3A = arith.constant dense<0.000000e+00> : vector<10000x128xf32>
    %dot_general3A_5 = tpu.matmul %get3A_1, %get3A_4, %dot_general3A {dimension_numbers = #tpu.dot_dimension_numbers<[1], [1], [0], [0], [0, 0, 1, 0], [], []>, transpose_lhs_hint = false} : vector<10000x128xf32>, vector<128x128xf32>, vector<10000x128xf32> -> vector<10000x128xf32>
    %swap3A = arith.constant 0 : index
    %swap3A_6 = arith.constant 0 : index
    %swap3A_7 = vector.load %arg3[%swap3A, %swap3A_6] : memref<10000x128xf32, #tpu.memory_space<vmem>>, vector<10000x128xf32>
    tpu.vector_store %arg3[%swap3A, %swap3A_6], %dot_general3A_5 {strides = array<i32>} : memref<10000x128xf32, #tpu.memory_space<vmem>>, vector<10000x128xf32>,
    %get3A_8 = arith.constant 0 : index
    %get3A_9 = arith.constant 0 : index
    %get3A_10 = vector.load %arg2[%get3A_8, %get3A_9] : memref<8x128xf32, #tpu.memory_space<vmem>>, vector<8x128xf32>
    %dot_general3A_11 = arith.constant dense<0.000000e+00> : vector<8x10000xf32>
    %dot_general3A_12 = tpu.matmul %get3A_10, %dot_general3A_5, %dot_general3A_11 {dimension_numbers = #tpu.dot_dimension_numbers<[1], [1], [0], [0], [0, 0, 1, 0], [], []>, transpose_lhs_hint = false} : vector<8x128xf32>, vector<10000x128xf32>, vector<8x10000xf32> -> vector<8x10000xf32>
    %swap3A_13 = arith.constant 0 : index
    %swap3A_14 = arith.constant 0 : index
    %swap3A_15 = vector.load %arg4[%swap3A_13, %swap3A_14] : memref<8x10000xf32, #tpu.memory_space<vmem>>, vector<8x10000xf32>
    tpu.vector_store %arg4[%swap3A_13, %swap3A_14], %dot_general3A_12 {strides = array<i32>} : memref<8x10000xf32, #tpu.memory_space<vmem>>, vector<8x10000xf32>,
    return
  }
}

module attributes {stable_mosaic.version = 14 : i64} {
  func.func @_finish_body(%arg0: i32, %arg1: memref<1x1024x128xf32, #tpu.memory_space<vmem>>, %arg2: memref<1x1024x128xf32, #tpu.memory_space<vmem>>, %arg3: memref<1x1x1x1024xf32, #tpu.memory_space<vmem>>, %arg4: memref<1x1x1x1024xf32, #tpu.memory_space<vmem>>, %arg5: memref<1024x128xf32, #tpu.memory_space<vmem>>) attributes {dimension_semantics = [#tpu.dimension_semantics<arbitrary>], iteration_bounds = array<i64: 10>, scalar_prefetch = 0 : i64, scratch_operands = 0 : i64, tpu.core_type = #tpu.core_type<tc>, window_params = [{transform_indices = @transform_0, window_bounds = array<i64: 1, 1024, 128>}, {transform_indices = @transform_1, window_bounds = array<i64: 1, 1024, 128>}, {transform_indices = @transform_2, window_bounds = array<i64: 1, 1, 1, 1024>}, {transform_indices = @transform_3, window_bounds = array<i64: 1, 1, 1, 1024>}, {transform_indices = @transform_4, window_bounds = array<i64: 1024, 128>}]} {
    %get3A = arith.constant 0 : index
    %get3A_0 = arith.constant 0 : index
    %get3A_1 = arith.constant 0 : index
    %get3A_2 = arith.constant 0 : index
    %get3A_3 = vector.load %arg3[%get3A, %get3A_0, %get3A_1, %get3A_2] : memref<1x1x1x1024xf32, #tpu.memory_space<vmem>>, vector<1x1x1x1024xf32>
    %get3A_4 = vector.shape_cast %get3A_3 : vector<1x1x1x1024xf32> to vector<1024xf32>
    %get3A_5 = arith.constant 0 : index
    %get3A_6 = arith.constant 0 : index
    %get3A_7 = arith.constant 0 : index
    %get3A_8 = arith.constant 0 : index
    %get3A_9 = vector.load %arg4[%get3A_5, %get3A_6, %get3A_7, %get3A_8] : memref<1x1x1x1024xf32, #tpu.memory_space<vmem>>, vector<1x1x1x1024xf32>
    %get3A_10 = vector.shape_cast %get3A_9 : vector<1x1x1x1024xf32> to vector<1024xf32>
    %add3A = arith.addf %get3A_4, %get3A_10 : vector<1024xf32>
    %eq3A = arith.constant 0.000000e+00 : f32
    %eq3A_11 = vector.broadcast %eq3A : f32 to vector<1024xf32>
    %eq3A_12 = arith.cmpf oeq, %add3A, %eq3A_11 : vector<1024xf32>
    %jit3A = arith.constant 1.000000e+00 : f32
    %broadcast_in_dim3A = vector.broadcast %jit3A : f32 to vector<1024xf32>
    %select_n3A = arith.select %eq3A_12, %broadcast_in_dim3A, %add3A : vector<1024xi1>, vector<1024xf32>
    %div3A = arith.constant 1.000000e+00 : f32
    %div3A_13 = vector.broadcast %div3A : f32 to vector<1024xf32>
    %div3A_14 = arith.divf %div3A_13, %select_n3A : vector<1024xf32>
    %reshape3A = vector.shape_cast %div3A_14 : vector<1024xf32> to vector<1024x1xf32>
    %get3A_15 = arith.constant 0 : index
    %get3A_16 = arith.constant 0 : index
    %get3A_17 = arith.constant 0 : index
    %get3A_18 = vector.load %arg1[%get3A_15, %get3A_16, %get3A_17] : memref<1x1024x128xf32, #tpu.memory_space<vmem>>, vector<1x1024x128xf32>
    %get3A_19 = vector.shape_cast %get3A_18 : vector<1x1024x128xf32> to vector<1024x128xf32>
    %get3A_20 = arith.constant 0 : index
    %get3A_21 = arith.constant 0 : index
    %get3A_22 = arith.constant 0 : index
    %get3A_23 = vector.load %arg2[%get3A_20, %get3A_21, %get3A_22] : memref<1x1024x128xf32, #tpu.memory_space<vmem>>, vector<1x1024x128xf32>
    %get3A_24 = vector.shape_cast %get3A_23 : vector<1x1024x128xf32> to vector<1024x128xf32>
    %add3A_25 = arith.addf %get3A_19, %get3A_24 : vector<1024x128xf32>
    %mul3A = vector.broadcast %reshape3A : vector<1024x1xf32> to vector<1024x128xf32>
    %mul3A_26 = arith.mulf %add3A_25, %mul3A : vector<1024x128xf32>
    %swap3A = arith.constant 0 : index
    %swap3A_27 = arith.constant 0 : index
    %swap3A_28 = vector.load %arg5[%swap3A, %swap3A_27] : memref<1024x128xf32, #tpu.memory_space<vmem>>, vector<1024x128xf32>
    tpu.vector_store %arg5[%swap3A, %swap3A_27], %mul3A_26 {strides = array<i32>} : memref<1024x128xf32, #tpu.memory_space<vmem>>, vector<1024x128xf32>,
    return
  }
  func.func @transform_0(%arg0: i32) -> (i32, i32, i32) {
    %c0_i32 = arith.constant 0 : i32
    %c0_i32_0 = arith.constant 0 : i32
    %c0_i32_1 = arith.constant 0 : i32
    return %c0_i32, %arg0, %c0_i32_0 : i32, i32, i32
  }
  func.func @transform_1(%arg0: i32) -> (i32, i32, i32) {
    %c1_i32 = arith.constant 1 : i32
    %c0_i32 = arith.constant 0 : i32
    %c0_i32_0 = arith.constant 0 : i32
    return %c1_i32, %arg0, %c0_i32 : i32, i32, i32
  }
  func.func @transform_2(%arg0: i32) -> (i32, i32, i32, i32) {
    %c0_i32 = arith.constant 0 : i32
    %c0_i32_0 = arith.constant 0 : i32
    %c0_i32_1 = arith.constant 0 : i32
    %c0_i32_2 = arith.constant 0 : i32
    return %c0_i32, %arg0, %c0_i32_0, %c0_i32_1 : i32, i32, i32, i32
  }
  func.func @transform_3(%arg0: i32) -> (i32, i32, i32, i32) {
    %c1_i32 = arith.constant 1 : i32
    %c0_i32 = arith.constant 0 : i32
    %c0_i32_0 = arith.constant 0 : i32
    %c0_i32_1 = arith.constant 0 : i32
    return %c1_i32, %arg0, %c0_i32, %c0_i32_0 : i32, i32, i32, i32
  }
  func.func @transform_4(%arg0: i32) -> (i32, i32) {
    %c0_i32 = arith.constant 0 : i32
    %c0_i32_0 = arith.constant 0 : i32
    return %arg0, %c0_i32 : i32, i32
  }
}

</mosaic_0001>

<sc_bundles>
// kernel: kernel.6.cloned.1.call-start
scs
__scs_entry_jumppad:
0x0: {  	(pc) =	sbr.rel $0x88, $3  }
0x1: {  	(tag) =	ssettag $0x0;
	lr =	simm.s32 $0x1  }
0x2: {  	[smem:$0x3F9D] =	sst lr;
	_ =	strace $0xD0000000  }
0x3: {  	_ = 	snop  }
0x4: {  	_ = 	snop  }
0x5: {  	_ = 	snop  }
0x6: {  	_ = 	snop  }
0x7: {  	_ = 	snop  }
__scs_overlays_trampoline_lowered:
0x8: {  	[smem:$0x3FAC] =	sst s0  }
0x9: {  	[smem:$0x3FAD] =	sst s1  }
0xa: {  	[smem:$0x3FAE] =	sst s2  }
0xb: {  	[smem:$0x3FAF] =	sst s3  }
0xc: {  	[smem:$0x3FB0] =	sst s4  }
0xd: {  	[smem:$0x3FB1] =	sst s5  }
0xe: {  	[smem:$0x3FB2] =	sst s6  }
0xf: {  	[smem:$0x3FB3] =	sst s7  }
0x10: {  	[smem:$0x3FB4] =	sst s8  }
0x11: {  	[smem:$0x3FB5] =	sst s9;
	s0 =	simm.s32 @!p0 $0x0  }
0x12: {  	s1 =	sld [smem:$0x3F9B];
	s0 =	simm.s32 @p0 $0x1  }
0x13: {  	[smem:$0x3FB6] =	sst s0;
	s0 =	simm.s32 @!p1 $0x0  }
0x14: {  	s2 =	sld [smem:$0x3F9A];
	s0 =	simm.s32 @p1 $0x1  }
0x15: {  	[smem:$0x3FB7] =	sst s0;
	s0 =	simm.s32 @!p2 $0x0  }
0x16: {  	s3 =	sld [smem:$0x3FDB];
	s0 =	simm.s32 @p2 $0x1  }
0x17: {  	s4 =	simm.s32 $0x1BF5;
	[smem:$0x3FB9] =	sst s0  }
0x18: {  	s0 =	sld [smem:$0x3F9C];
	_ =	swait.ge [sflag:s4], $0x0  }
0x19: {  	s7 =	sld [smem:$0x3F9D]  }
0x1a: {  	s8 =	sadd.s32 $0xFFFFE003, lr  }
0x1b: {  	s9 =	sadd.s32 $0xFFFFFEF7, lr;
	s5 =	simm.s32 $0xFFFFFFFF;
	p2 =	slt.u32 s8, $0xFFFFF086  }
0x1c: {  	p1 =	slt.u32 s9, $0xF7A;
	s5 =	simm.s32 @!p2 $0x0  }
0x1d: {  	s5 =	simm.s32 @p1 $0x1;
	p0 =	seq.s32 s7, s2  }
0x1e: {  	s7 =	smul.u32 @!p0 $0xF7A, s2;
	p2 =	seq.s32 @!p0 s5, $0x0  }
0x1f: {  	s9 =	smul.u32 $0xF7A, s1;
	s8 =	simm.s32 @!p0 $0x1BF5;
	p2 =	por !p2, p0  }
0x20: {  	[sflag:s8] =	ssyncset.s32 @!p0 $0xFFFFF086;
	s6 =	sadd.s32 @!p0 s3, s7;
	s7 =	simm.s32 @!p0 $0x108  }
0x21: {  	s3 =	sadd.s32 s3, s9;
	s6 =	sadd.s32 @!p0 $0x88, s6;
	s7 =	simm.s32 @p2 $0x1082  }
0x22: {  	[simem:s7], [sflag:s8] =	dma.local @!p0 [hbm:s6], $0xF7A  }
0x23: {  	s9 =	sor.u32 $0xD0000000, s2;
	s6 =	simm.s32 $0x108;
	_ =	swait.ge @!p0 [sflag:s8], $0x0  }
0x24: {  	s3 =	sadd.s32 $0x88, s3;
	s6 =	simm.s32 @!p1 $0x1082;
	[sflag:s4] =	ssyncset.s32 $0xFFFFF086  }
0x25: {  	[simem:s6], [sflag:s4] =	dma.local [hbm:s3], $0xF7A  }
0x26: {  	[smem:$0x3F9D] =	sst s1;
	(tag) =	ssettag s2;
	_ =	strace s9  }
0x27: {  	s1 =	sld [smem:$0x3FAD]  }
0x28: {  	s2 =	sld [smem:$0x3FAE]  }
0x29: {  	s4 =	sld [smem:$0x3FB0]  }
0x2a: {  	p0 =	seq.s32 s5, $0x0;
	s5 =	sld [smem:$0x3FB1]  }
0x2b: {  	s6 =	sld [smem:$0x3FB2]  }
0x2c: {  	s7 =	sld [smem:$0x3FB3]  }
0x2d: {  	s3 =	simm.s32 $0x108;
	s8 =	sld [smem:$0x3FB4]  }
0x2e: {  	s3 =	simm.s32 @!p0 $0x1082;
	s9 =	sld [smem:$0x3FB5]  }
0x2f: {  	lr =	sadd.s32 s0, s3;
	s0 =	sld [smem:$0x3FAC]  }
0x30: {  	s3 =	sld [smem:$0x3FAF]  }
0x31: {  	[smem:$0x3FB8] =	sst s10  }
0x32: {  	s10 =	sld [smem:$0x3FB6];
	_ =	sdelay $0x3  }
0x33: {  	p0 =	seq.s32 s10, $0x1;
	s10 =	sld [smem:$0x3FB8];
	_ =	sdelay $0x3  }
0x34: {  	[smem:$0x3FB8] =	sst s10  }
0x35: {  	s10 =	sld [smem:$0x3FB7];
	_ =	sdelay $0x3  }
0x36: {  	p1 =	seq.s32 s10, $0x1;
	s10 =	sld [smem:$0x3FB8];
	_ =	sdelay $0x3  }
0x37: {  	[smem:$0x3FB8] =	sst s10  }
0x38: {  	s10 =	sld [smem:$0x3FB9]  }
0x39: {  	_ = 	snop;
	(pc) =	sbr.ind lr, $3  }
0x3a: {  	_ = 	snop  }
0x3b: {  	_ = 	snop  }
0x3c: {  	p2 =	seq.s32 s10, $0x1;
	s10 =	sld [smem:$0x3FB8]  }
0x3d: {  	_ =	shalt  }
0x3e: {  	_ =	shalt  }
0x3f: {  	_ =	shalt  }
0x40: {  	_ =	shalt  }
0x41: {  	_ =	shalt  }
0x42: {  	_ =	shalt  }
0x43: {  	_ =	shalt  }
0x44: {  	_ =	shalt  }
0x45: {  	_ =	shalt  }
0x46: {  	_ =	shalt  }
0x47: {  	_ =	shalt  }
0x48: {  	_ =	shalt  }
0x49: {  	_ =	shalt  }
0x4a: {  	_ =	shalt  }
0x4b: {  	_ =	shalt  }
0x4c: {  	_ =	shalt  }
0x4d: {  	_ =	shalt  }
0x4e: {  	_ =	shalt  }
0x4f: {  	_ =	shalt  }
0x50: {  	_ =	shalt  }
0x51: {  	_ =	shalt  }
0x52: {  	_ =	shalt  }
0x53: {  	_ =	shalt  }
0x54: {  	_ =	shalt  }
0x55: {  	_ =	shalt  }
0x56: {  	_ =	shalt  }
0x57: {  	_ =	shalt  }
0x58: {  	_ =	shalt  }
0x59: {  	_ =	shalt  }
0x5a: {  	_ =	shalt  }
0x5b: {  	_ =	shalt  }
0x5c: {  	_ =	shalt  }
0x5d: {  	_ =	shalt  }
0x5e: {  	_ =	shalt  }
0x5f: {  	_ =	shalt  }
0x60: {  	_ =	shalt  }
0x61: {  	_ =	shalt  }
0x62: {  	_ =	shalt  }
0x63: {  	_ =	shalt  }
0x64: {  	_ =	shalt  }
0x65: {  	_ =	shalt  }
0x66: {  	_ =	shalt  }
0x67: {  	_ =	shalt  }
0x68: {  	_ =	shalt  }
0x69: {  	_ =	shalt  }
0x6a: {  	_ =	shalt  }
0x6b: {  	_ =	shalt  }
0x6c: {  	_ =	shalt  }
0x6d: {  	_ =	shalt  }
0x6e: {  	_ =	shalt  }
0x6f: {  	_ =	shalt  }
0x70: {  	_ =	shalt  }
0x71: {  	_ =	shalt  }
0x72: {  	_ =	shalt  }
0x73: {  	_ =	shalt  }
0x74: {  	_ =	shalt  }
0x75: {  	_ =	shalt  }
0x76: {  	_ =	shalt  }
0x77: {  	_ =	shalt  }
0x78: {  	_ =	shalt  }
0x79: {  	_ =	shalt  }
0x7a: {  	_ =	shalt  }
0x7b: {  	_ =	shalt  }
0x7c: {  	_ =	shalt  }
0x7d: {  	_ =	shalt  }
0x7e: {  	_ =	shalt  }
0x7f: {  	_ =	shalt  }
0x80: {  	_ =	shalt  }
0x81: {  	_ =	shalt  }
0x82: {  	_ =	shalt  }
0x83: {  	_ =	shalt  }
0x84: {  	_ =	shalt  }
0x85: {  	_ =	shalt  }
0x86: {  	_ =	shalt  }
0x87: {  	_ =	shalt  }
.Lfunc_end0:
.L_simem_size_0:
called_computation_lowered:
.L_overlay_start_0:
0x88: {  	s2 =	sld [smem:$0x3FD9]  }
0x89: {  	s3 =	sld [smem:$0x3FFE];
	_ =	sdelay $0x1  }
0x8a: {  	s1 =	srdreg.scid  }
0x8b: {  	s0 =	sand.u32 $0x1, s1  }
0x8c: {  	s16 =	sshll.u32 s0, $0xA;
	s2 =	sadd.s32 s3, s2  }
0x8d: {  	s2 =	sadd.s32 s2, s16  }
0x8e: {  	[smem:$0x3FC4] =	sst s2  }
0x8f: {  	_ = 	snop  }
0x90: {  	(tm) =	ssettm $0x1  }
0x91: {  	s17 =	sld [smem:$0x3FFB];
	_ =	sdelay $0x3  }
0x92: {  	_ =	strace s17  }
0x93: {  	s2 =	sld [smem:$0x3FFC];
	_ =	sdelay $0x3  }
0x94: {  	_ =	strace s2  }
0x95: {  	s2 =	sld [smem:$0x3FFD];
	_ =	sdelay $0x3  }
0x96: {  	_ =	strace s2  }
0x97: {  	_ =	strace $0x8FFFFFFF  }
0x98: {  	s18 =	sld [smem:$0x3FDB];
	_ =	sdelay $0x1  }
0x99: {  	s19 =	simm.s32 $_scs_section_size  }
0x9a: {  	s4 =	simm.s32 $_size__tile_overlayer_lowered;
	s5 =	simm.s32 $_tile_overlayer_lowered  }
0x9b: {  	s22 =	simm.s32 $0x1BFF;
	s21 =	sshll.u32 s5, $0x1;
	s2 =	sadd.s32 s19, s18  }
0x9c: {  	s6 =	simm.s32 $0x0;
	s20 =	sshll.u32 s4, $0x1;
	s4 =	sadd.s32 s21, s2  }
0x9d: {  	[timem:s6], [sflag:s22] =	dma.local [hbm:s4], s20  }
0x9e: {  	_ =	swait.ge [sflag:s22], s20  }
0x9f: {  	s3 =	ssub.s32 $0x0, s20;
	[sflag:s22] =	ssyncset.done $0x0  }
0xa0: {  	[sflag:s22] =	ssyncadd.s32 s3;
	_ =	sdelay $0x1  }
0xa1: {  	s23 =	simm.s32 $0x1B8B  }
0xa2: {  	_ =	swait.ge [sflag:s23], $0x1  }
0xa3: {  	[sflag:s23] =	ssyncset.done $0x0  }
0xa4: {  	s25 =	simm.s32 $0x1B8E;
	s24 =	sld [smem:$0x3FFE];
	[sflag:s23] =	ssyncadd.s32 $0xFFFFFFFF  }
0xa5: {  	s26 =	simm.s32 $execute0_lowered;
	[smem:$0x3FD2] =	sst s25  }
0xa6: {  	s4 =	sshll.u32 s26, $0x1;
	_ =	strace $0x80000046;
	[dreg:$0x1] =	wrdreg $0xFFFFFFFF  }
0xa7: {  	s28 =	simm.s32 $_size_execute0_lowered;
	s2 =	sadd.s32 s2, s4;
	[dreg:$0x0] =	wrdreg $0x0  }
0xa8: {  	s4 =	sshll.u32 s28, $0x1;
	[dreg:$0x2] =	wrdreg s2  }
0xa9: {  	[dreg:$0x3] =	wrdreg s4  }
0xaa: {  	[dreg:$0x4] =	wrdreg $0xC0  }
0xab: {  	_ =	task [dreg:s6], $0x5FFFF  }
0xac: {  	[dreg:$0x1] =	wrdreg $0xFFFFFFFF  }
0xad: {  	[dreg:$0x0] =	wrdreg $0x60  }
0xae: {  	[dreg:$0x2] =	wrdreg s24  }
0xaf: {  	[dreg:$0x3] =	wrdreg $0xEE000  }
0xb0: {  	[dreg:$0x4] =	wrdreg $0x9  }
0xb1: {  	_ =	task.clear_ibuf [dreg:s6], $0x5FFFF;
	_ =	strace $0x90000046  }
0xb2: {  	s29 =	simm.s32 $0x9;
	_ =	strace $0x80000048  }
0xb3: {  	_ =	swait.ge [sflag:s29], $0x1  }
0xb4: {  	[sflag:s29] =	ssyncadd.s32 $0xFFFFFFFF  }
0xb5: {  	_ =	strace $0x90000048  }
0xb6: {  	_ =	sfence  }
0xb7: {  	s30 =	sld [smem:$0x0];
	_ =	sdelay $0x2  }
0xb8: {  	s31 =	sshll.u32 s1, $0xD;
	s1 =	sshrl.u32 s1, $0x2  }
0xb9: {  	s3 =	sand.u32 $0x4000, s31;
	s1 =	sadd.s32 s1, s30  }
0xba: {  	s0 =	sor.u32 s3, s0;
	s1 =	sshll.u32 s1, $0x11  }
0xbb: {  	s0 =	sor.u32 s1, s0  }
0xbc: {  	s0 =	sadd.s32 $0x8F2B, s0  }
0xbd: {  	[sflag:s0] =	ssyncadd.remote.s32 $0x1  }
0xbe: {  	_ =	sfence.sel $0xFFFF  }
0xbf: {  	[dreg:$0x0] =	wrdreg $0xFFFFFFFF;
	(pc) =	sbr.abs _section_cstart, $3  }
0xc0: {  	[dreg:$0x1] =	wrdreg $0xFFFFFFFF  }
0xc1: {  	_ =	task.clear_ibuf [dreg:s6], $0x2FFFF;
	_ =	strace $0x9FFFFFFF  }
0xc2: {  	(tm) =	ssettm $0x7FFFFFFF  }
0xc3: {  	_ =	shalt  }
tec
execute0_lowered:
.L_overlay_start_1:
0x0: {  	(tag) =	ssettag $0x1  }
0x1: {  	s5 =	rddreg [dreg:$0x0]  }
0x2: {  	s0 =	srdreg.scid;
	s15 =	stileid.u32  }
0x3: {  	s1 =	rddreg [dreg:$0x1];
	s2 =	simm.s32 $0x0;
	s13 =	simm.s32 $0x4F00  }
0x4: {  	s14 =	simm.s32 $0x7680;
	s16 =	simm.s32 $0xC580;
	s18 =	simm.s32 $0x9E00  }
0x5: {  	s19 =	simm.s32 $0x0;
	s6 =	sand.u32 $0x1, s0;
	s0 =	rddreg [dreg:$0x2]  }
0x6: {  	s3 =	sshll.u32 s15, $0x1;
	[smem:$0x7FF] =	sst s2;
	s10 =	smul.u32 $0x4F00, s15  }
0x7: {  	p0 =	sne.s32 s15, $0x0;
	s15 =	simm.s32 $0x80;
	s8 =	smul.u32 $0x500, s6  }
0x8: {  	s3 =	sor.u32 s6, s3;
	_ =	strace $0x80000047;
	s12 =	smul.u32 $0x2780, s6  }
0x9: {  	s30 =	ssub.s32 $0x2, s6;
	s17 =	sshrl.u32 @!p0 s1, $0x3;
	s4 =	smul.u32 $0x2780, s3  }
0xa: {  	s3 =	sadd.s32 $0x14A00, s5;
	s31 =	sshrl.u32 s30, $0x1;
	s8 =	sadd.s32 s8, s5  }
0xb: {  	s11 =	ssub.s32 s30, s31;
	s10 =	sadd.s32 s12, s10;
	s7 =	sshrl.u32 s4, $0x3  }
0xc: {  	s12 =	simm.s32 $0x2780;
	s4 =	sadd.s32 $0x14400, s5;
	s9 =	sadd.s32 s7, s5  }
0xd: {  	s7 =	sadd.s32 $0x1EE00, s8;
	s5 =	sadd.s32 $0xA600, s9;
	s6 =	sadd.s32 $0x800, s9  }
0xe: {  	v0 =	vimm.f32 $0.0e+00;
	s8 =	sadd.s32 $0x15000, s9;
	s9 =	smax.u32 s11, $0x1;
	s11 =	simm.s32 $0x1  }
.LBB2_1:
0xf: {  	[tilespmem:s2], [sflag:$0x1] =	stream.linear.gather [hbm4b:s5+s2], $0x2780, $0x38;
	[tilespmem:$0xF080] =	vst v63  }
0x10: {  	_ =	swait.ge [sflag:s11], $0x2780  }
0x11: {  	[sflag:s11] =	ssyncset.done $0x0  }
0x12: {  	[sflag:s11] =	ssyncadd.s32 $0xFFFFD880  }
0x13: {  	[tilespmem:s12], [sflag:$0x1] =	stream.linear.gather [hbm4b:s6+s2], $0x2780, $0x38;
	[tilespmem:$0xF080] =	vst v63  }
0x14: {  	_ =	swait.ge [sflag:s11], $0x2780  }
0x15: {  	[sflag:s11] =	ssyncset.done $0x0  }
0x16: {  	[sflag:s11] =	ssyncadd.s32 $0xFFFFD880  }
0x17: {  	[tilespmem:s13], [sflag:$0x1] =	stream.linear.gather [hbm4b:s3+s2], $0x2780, $0x38;
	[tilespmem:$0xF080] =	vst v63  }
0x18: {  	_ =	swait.ge [sflag:s11], $0x2780  }
0x19: {  	[sflag:s11] =	ssyncset.done $0x0  }
0x1a: {  	[sflag:s11] =	ssyncadd.s32 $0xFFFFD880  }
0x1b: {  	[tilespmem:s14], [sflag:$0x1] =	stream.linear.gather [hbm4b:s4+s2], $0x2780, $0x38;
	[tilespmem:$0xF080] =	vst v63  }
0x1c: {  	_ =	swait.ge [sflag:s11], $0x2780  }
0x1d: {  	[sflag:s11] =	ssyncset.done $0x0  }
0x1e: {  	s20 =	simm.s32 $0x0;
	[sflag:s11] =	ssyncadd.s32 $0xFFFFD880  }
.LBB2_2:
0x1f: {  	p1 =	sne.s32 s20, $0x9FC0  }
.Ltmp0:
0x20: {  	_ = 	snop;
	(pc) =	sbr.rel @p1 .LBB2_2-.Ltmp0, $3  }
0x21: {  	_ =	sdelay $0x1  }
0x22: {  	s21 =	sshra.s32 s20, $0x2  }
0x23: {  	s20 =	sadd.s32 $0x40, s20;
	[tilespmem:s21+$0xC600] =	vst v0  }
0x24: {  	s21 =	simm.s32 $0x0  }
0x25: {  	v1 =	vld [tilespmem:s21+$0x2780]  }
0x26: {  	v2 =	vld [tilespmem:s21+$0x0];
	_ =	sdelay $0x6  }
0x27: {  	v1 =	vld.idx.msk [tilespmem:v1+s14+$0x0], $0xffff  }
0x28: {  	v2 =	vld.idx.msk [tilespmem:v2+s13+$0x0], $0xffff;
	_ =	sdelay $0x4  }
0x29: {  	v1 =	vadd.f32 v1, v2;
	_ =	sdelay $0x1  }
0x2a: {  	v2 =	vmul.f32 $9.999999770e-03, v1;
	_ =	sdelay $0x1  }
0x2b: {  	v1 =	vmax.f32 v1, v2  }
0x2c: {  	v1 =	vmul.f32 $1.442695020e+00, v1;
	_ =	sdelay $0x1  }
0x2d: {  	(erf) = vpow2.f32 v1;
	_ =	sdelay $0x2  }
0x2e: {  	s20 =	simm.s32 $0x10  }
0x2f: {  	v1 =	vld [tilespmem:s20+$0x2780]  }
0x30: {  	v2 =	vld [tilespmem:s20+$0x0];
	_ =	sdelay $0x3  }
0x31: {  	p1 =	slt.u32 s10, $0x4E200;
	v3 =	vpop (erf)  }
0x32: {  	v3 =	vpsel !p1, $0x0, v3  }
0x33: {  	[tilespmem:s21+$0x9E00] =	vst v3  }
0x34: {  	v1 =	vld.idx.msk [tilespmem:v1+s14+$0x0], $0xffff  }
0x35: {  	v2 =	vld.idx.msk [tilespmem:v2+s13+$0x0], $0xffff;
	_ =	sdelay $0x4  }
0x36: {  	v1 =	vadd.f32 v1, v2;
	_ =	sdelay $0x1  }
0x37: {  	v2 =	vmul.f32 $9.999999770e-03, v1;
	_ =	sdelay $0x1  }
0x38: {  	v1 =	vmax.f32 v1, v2  }
0x39: {  	v1 =	vmul.f32 $1.442695020e+00, v1;
	_ =	sdelay $0x1  }
0x3a: {  	(erf) = vpow2.f32 v1;
	_ =	sdelay $0x2  }
0x3b: {  	s23 =	simm.s32 $0x20  }
0x3c: {  	s22 =	simm.s32 $0xC0;
	s21 =	smov.u32 s10;
	v1 =	vld [tilespmem:s23+$0x2780]  }
.LBB2_4:
0x3d: {  	p1 =	sne.s32 s22, $0x9DC0;
	v2 =	vld [tilespmem:s23+$0x0];
	_ =	sdelay $0x2  }
0x3e: {  	s21 =	sadd.s32 $0x10, s21  }
0x3f: {  	p2 =	slt.u32 s21, $0x4E200;
	v3 =	vpop (erf)  }
0x40: {  	v3 =	vpsel !p2, $0x0, v3  }
0x41: {  	[tilespmem:s20+$0x9E00] =	vst v3;
	s20 =	smov.u32 s23  }
0x42: {  	v1 =	vld.idx.msk [tilespmem:v1+s14+$0x0], $0xffff  }
0x43: {  	v2 =	vld.idx.msk [tilespmem:v2+s13+$0x0], $0xffff;
	_ =	sdelay $0x5  }
0x44: {  	v1 =	vadd.f32 v1, v2;
	_ =	sdelay $0x1  }
0x45: {  	v2 =	vmul.f32 $9.999999770e-03, v1;
	_ =	sdelay $0x1  }
0x46: {  	v1 =	vmax.f32 v1, v2  }
0x47: {  	v1 =	vmul.f32 $1.442695020e+00, v1;
	_ =	sdelay $0x1  }
.Ltmp1:
0x48: {  	(erf) = vpow2.f32 v1;
	(pc) =	sbr.rel @p1 .LBB2_4-.Ltmp1, $3  }
0x49: {  	_ =	sdelay $0x1  }
0x4a: {  	s23 =	sshra.s32 s22, $0x2  }
0x4b: {  	s22 =	sadd.s32 $0x40, s22;
	v1 =	vld [tilespmem:s23+$0x2780]  }
0x4c: {  	_ = 	snop  }
0x4d: {  	v2 =	vld [tilespmem:s23+$0x0];
	_ =	sdelay $0x2  }
0x4e: {  	s21 =	sadd.s32 $0x10, s21  }
0x4f: {  	p1 =	slt.u32 s21, $0x4E200;
	v3 =	vpop (erf)  }
0x50: {  	v3 =	vpsel !p1, $0x0, v3  }
0x51: {  	[tilespmem:s20+$0x9E00] =	vst v3  }
0x52: {  	v1 =	vld.idx.msk [tilespmem:v1+s14+$0x0], $0xffff  }
0x53: {  	v2 =	vld.idx.msk [tilespmem:v2+s13+$0x0], $0xffff;
	_ =	sdelay $0x4  }
0x54: {  	v1 =	vadd.f32 v1, v2;
	_ =	sdelay $0x1  }
0x55: {  	v2 =	vmul.f32 $9.999999770e-03, v1;
	_ =	sdelay $0x1  }
0x56: {  	v1 =	vmax.f32 v1, v2  }
0x57: {  	v1 =	vmul.f32 $1.442695020e+00, v1;
	_ =	sdelay $0x1  }
0x58: {  	(erf) = vpow2.f32 v1;
	_ =	sdelay $0x7  }
0x59: {  	s29 =	sadd.s32 $0x10, s21  }
0x5a: {  	p6 =	slt.u32 s29, $0x4E200;
	v1 =	vpop (erf)  }
0x5b: {  	v1 =	vpsel !p6, $0x0, v1  }
0x5c: {  	s20 =	simm.s32 @!p0 $0xC600;
	[tilespmem:s23+$0x9E00] =	vst v1  }
0x5d: {  	[spmem:s1] =	stream.linear.scatter @!p0 [tilespmem:s20], [sflag:$0x1], $0x2800, $0x38;
	[tilespmem:$0xF080] =	vst v63  }
0x5e: {  	s20 =	simm.s32 @!p0 $0x1  }
0x5f: {  	_ =	swait.ge @!p0 [sflag:s20], $0x2800  }
0x60: {  	[sflag:s20] =	ssyncset.done @!p0 $0x0  }
0x61: {  	[sflag:s20] =	ssyncadd.s32 @!p0 $0xFFFFD800  }
0x62: {  	s30 =	simm.s32 $0x0;
	[bflag:$0x0] =	sbarrier.arrive $0xFFFF  }
0x63: {  	v1 =	vld [tilespmem:s30+$0x2780];
	_ =	sdelay $0x4  }
0x64: {  	[tilespmem:$0xC580] =	vst v1  }
0x65: {  	v1 =	vld [tilespmem:s30+$0x2790];
	_ =	sdelay $0x4  }
0x66: {  	[tilespmem:$0xC590] =	vst v1  }
0x67: {  	v1 =	vld [tilespmem:s30+$0x27A0];
	_ =	sdelay $0x4  }
0x68: {  	[tilespmem:$0xC5A0] =	vst v1  }
0x69: {  	v1 =	vld [tilespmem:s30+$0x27B0];
	_ =	sdelay $0x4  }
0x6a: {  	[tilespmem:$0xC5B0] =	vst v1  }
0x6b: {  	v1 =	vld [tilespmem:s30+$0x27C0];
	_ =	sdelay $0x4  }
0x6c: {  	[tilespmem:$0xC5C0] =	vst v1  }
0x6d: {  	v1 =	vld [tilespmem:s30+$0x27D0];
	_ =	sdelay $0x4  }
0x6e: {  	[tilespmem:$0xC5D0] =	vst v1  }
0x6f: {  	v1 =	vld [tilespmem:s30+$0x27E0];
	_ =	sdelay $0x4  }
0x70: {  	[tilespmem:$0xC5E0] =	vst v1  }
0x71: {  	v1 =	vld [tilespmem:s30+$0x27F0];
	_ =	sdelay $0x4  }
0x72: {  	s31 =	simm.s32 $0x9E00;
	[tilespmem:$0xC5F0] =	vst v1  }
0x73: {  	[spmem:s1] =	stream.indirect.scatter.add.f32 [tilespmem:s31], [sflag:$0x1], $0x1, s16, s15, $0xb8;
	[tilespmem:$0xF080] =	vst v63  }
0x74: {  	_ =	swait.ge [sflag:s11], $0x80  }
0x75: {  	s23 =	simm.s32 $0x400;
	s20 =	simm.s32 $0x200;
	[sflag:s11] =	ssyncset.done $0x0  }
.LBB2_6:
0x76: {  	s22 =	sshra.s32 s20, $0x2  }
0x77: {  	[sflag:s11] =	ssyncadd.s32 $0xFFFFFF80;
	s20 =	smov.u32 s23;
	s21 =	sadd.s32 $0x200, s23  }
0x78: {  	p1 =	sne.s32 s23, $0x9C00;
	v1 =	vld [tilespmem:s22+$0x2780];
	_ =	sdelay $0x4  }
0x79: {  	[tilespmem:$0xC580] =	vst v1  }
0x7a: {  	v1 =	vld [tilespmem:s22+$0x2790];
	_ =	sdelay $0x4  }
0x7b: {  	[tilespmem:$0xC590] =	vst v1  }
0x7c: {  	v1 =	vld [tilespmem:s22+$0x27A0];
	_ =	sdelay $0x4  }
0x7d: {  	[tilespmem:$0xC5A0] =	vst v1  }
0x7e: {  	v1 =	vld [tilespmem:s22+$0x27B0];
	_ =	sdelay $0x4  }
0x7f: {  	[tilespmem:$0xC5B0] =	vst v1  }
0x80: {  	v1 =	vld [tilespmem:s22+$0x27C0];
	_ =	sdelay $0x4  }
0x81: {  	[tilespmem:$0xC5C0] =	vst v1  }
0x82: {  	v1 =	vld [tilespmem:s22+$0x27D0];
	_ =	sdelay $0x4  }
0x83: {  	[tilespmem:$0xC5D0] =	vst v1  }
0x84: {  	v1 =	vld [tilespmem:s22+$0x27E0];
	_ =	sdelay $0x4  }
0x85: {  	[tilespmem:$0xC5E0] =	vst v1  }
0x86: {  	v1 =	vld [tilespmem:s22+$0x27F0];
	_ =	sdelay $0x3  }
.Ltmp2:
0x87: {  	(pc) =	sbr.rel @p1 .LBB2_6-.Ltmp2, $4  }
0x88: {  	s22 =	sadd.s32 $0x9E00, s22;
	[tilespmem:$0xC5F0] =	vst v1  }
0x89: {  	[spmem:s1] =	stream.indirect.scatter.add.f32 [tilespmem:s22], [sflag:$0x1], $0x1, s16, s15, $0xb8;
	[tilespmem:$0xF080] =	vst v63  }
0x8a: {  	_ =	swait.ge [sflag:s11], $0x80  }
0x8b: {  	s23 =	smov.u32 s21;
	[sflag:s11] =	ssyncset.done $0x0  }
0x8c: {  	s20 =	sshra.s32 s20, $0x2;
	[sflag:s11] =	ssyncadd.s32 $0xFFFFFF80  }
0x8d: {  	v1 =	vld [tilespmem:s20+$0x2780];
	_ =	sdelay $0x4  }
0x8e: {  	[tilespmem:$0xC580] =	vst v1  }
0x8f: {  	v1 =	vld [tilespmem:s20+$0x2790];
	_ =	sdelay $0x4  }
0x90: {  	[tilespmem:$0xC590] =	vst v1  }
0x91: {  	v1 =	vld [tilespmem:s20+$0x27A0];
	_ =	sdelay $0x4  }
0x92: {  	[tilespmem:$0xC5A0] =	vst v1  }
0x93: {  	v1 =	vld [tilespmem:s20+$0x27B0];
	_ =	sdelay $0x4  }
0x94: {  	[tilespmem:$0xC5B0] =	vst v1  }
0x95: {  	v1 =	vld [tilespmem:s20+$0x27C0];
	_ =	sdelay $0x4  }
0x96: {  	[tilespmem:$0xC5C0] =	vst v1  }
0x97: {  	v1 =	vld [tilespmem:s20+$0x27D0];
	_ =	sdelay $0x4  }
0x98: {  	[tilespmem:$0xC5D0] =	vst v1  }
0x99: {  	v1 =	vld [tilespmem:s20+$0x27E0];
	_ =	sdelay $0x4  }
0x9a: {  	[tilespmem:$0xC5E0] =	vst v1  }
0x9b: {  	v1 =	vld [tilespmem:s20+$0x27F0];
	_ =	sdelay $0x4  }
0x9c: {  	s20 =	sadd.s32 $0x9E00, s20;
	[tilespmem:$0xC5F0] =	vst v1  }
0x9d: {  	[spmem:s1] =	stream.indirect.scatter.add.f32 [tilespmem:s20], [sflag:$0x1], $0x1, s16, s15, $0xb8;
	[tilespmem:$0xF080] =	vst v63  }
0x9e: {  	_ =	swait.ge [sflag:s11], $0x80  }
0x9f: {  	[sflag:s11] =	ssyncset.done $0x0  }
0xa0: {  	[sflag:s11] =	ssyncadd.s32 $0xFFFFFF80  }
0xa1: {  	s20 =	simm.s32 @!p0 $0x1C01;
	[bflag:$0x0] =	sbarrier.arrive $0xFFFF  }
0xa2: {  	[hbm:s7], [sflag:s20] =	dma.local @!p0 [spmem:s17], $0x500  }
0xa3: {  	s20 =	simm.s32 @!p0 $0x1  }
0xa4: {  	s19 =	sadd.s32 $0x1, s19;
	_ =	swait.ge @!p0 [sflag:s20], $0x500  }
0xa5: {  	p1 =	sne.s32 s19, s9;
	[sflag:s20] =	ssyncset.done @!p0 $0x0  }
.Ltmp3:
0xa6: {  	[sflag:s20] =	ssyncadd.s32 @!p0 $0xFFFFFB00;
	(pc) =	sbr.rel @p1 .LBB2_1-.Ltmp3, $4  }
0xa7: {  	[hbm4b:s8+s2] =	stream.linear.scatter [tilespmem:s18], [sflag:$0x1], $0x2780, $0x38;
	[tilespmem:$0xF080] =	vst v63  }
0xa8: {  	_ =	swait.ge [sflag:s11], $0x2780  }
0xa9: {  	[sflag:s11] =	ssyncset.done $0x0  }
0xaa: {  	[sflag:s11] =	ssyncadd.s32 $0xFFFFD880  }
0xab: {  	_ =	sfence.sel $0x180000  }
0xac: {  	[bflag:$0x0] =	sbarrier.arrive $0xFFFF  }
0xad: {  	_ =	strace $0x90000047  }
0xae: {  	s0 =	sadd.s32 @!p0 $0x100000, s0;
	[bflag:$0x2] =	sbarrier.arrive $0xFFFF  }
0xaf: {  	[sflag:s0] =	ssyncadd.tile.s32 @!p0 $0x1;
	_ =	shalt  }
.Lfunc_end2:
_tile_overlayer_lowered:
.L_overlay_start_2:
0xb0: {  	(tag) =	ssettag $0x2  }
0xb1: {  	s0 =	rddreg [dreg:$0x0];
	s2 =	stileid.u32  }
0xb2: {  	s1 =	rddreg [dreg:$0x1];
	p0 =	sne.s32 s2, $0x0  }
0xb3: {  	s3 =	rddreg [dreg:$0x2];
	[bflag:$0x3] =	sbarrier.arrive $0xFFFF;
	s2 =	simm.s32 @!p0 $0x1C01  }
0xb4: {  	[timem:s3], [sflag:s2] =	dma.local @!p0 [hbm:s0], s1  }
0xb5: {  	s0 =	simm.s32 @!p0 $0x1  }
0xb6: {  	_ =	swait.ge @!p0 [sflag:s0], s1  }
0xb7: {  	s1 =	ssub.s32 @!p0 $0x0, s1;
	[sflag:s0] =	ssyncset.done @!p0 $0x0  }
0xb8: {  	[sflag:s0] =	ssyncadd.s32 @!p0 s1  }
0xb9: {  	[bflag:$0x3] =	sbarrier.arrive $0xFFFF  }
0xba: {  	_ =	shalt  }

// kernel: kernel.9.cloned.1.call-start
scs
__scs_entry_jumppad:
0x0: {  	(pc) =	sbr.rel $0x88, $3  }
0x1: {  	(tag) =	ssettag $0x0;
	lr =	simm.s32 $0x1  }
0x2: {  	[smem:$0x3F9D] =	sst lr;
	_ =	strace $0xD0000000  }
0x3: {  	_ = 	snop  }
0x4: {  	_ = 	snop  }
0x5: {  	_ = 	snop  }
0x6: {  	_ = 	snop  }
0x7: {  	_ = 	snop  }
__scs_overlays_trampoline_lowered:
0x8: {  	[smem:$0x3FAC] =	sst s0  }
0x9: {  	[smem:$0x3FAD] =	sst s1  }
0xa: {  	[smem:$0x3FAE] =	sst s2  }
0xb: {  	[smem:$0x3FAF] =	sst s3  }
0xc: {  	[smem:$0x3FB0] =	sst s4  }
0xd: {  	[smem:$0x3FB1] =	sst s5  }
0xe: {  	[smem:$0x3FB2] =	sst s6  }
0xf: {  	[smem:$0x3FB3] =	sst s7  }
0x10: {  	[smem:$0x3FB4] =	sst s8  }
0x11: {  	[smem:$0x3FB5] =	sst s9;
	s0 =	simm.s32 @!p0 $0x0  }
0x12: {  	s1 =	sld [smem:$0x3F9B];
	s0 =	simm.s32 @p0 $0x1  }
0x13: {  	[smem:$0x3FB6] =	sst s0;
	s0 =	simm.s32 @!p1 $0x0  }
0x14: {  	s2 =	sld [smem:$0x3F9A];
	s0 =	simm.s32 @p1 $0x1  }
0x15: {  	[smem:$0x3FB7] =	sst s0;
	s0 =	simm.s32 @!p2 $0x0  }
0x16: {  	s3 =	sld [smem:$0x3FDB];
	s0 =	simm.s32 @p2 $0x1  }
0x17: {  	s4 =	simm.s32 $0x1BF5;
	[smem:$0x3FB9] =	sst s0  }
0x18: {  	s0 =	sld [smem:$0x3F9C];
	_ =	swait.ge [sflag:s4], $0x0  }
0x19: {  	s7 =	sld [smem:$0x3F9D]  }
0x1a: {  	s8 =	sadd.s32 $0xFFFFE003, lr  }
0x1b: {  	s9 =	sadd.s32 $0xFFFFFEF7, lr;
	s5 =	simm.s32 $0xFFFFFFFF;
	p2 =	slt.u32 s8, $0xFFFFF086  }
0x1c: {  	p1 =	slt.u32 s9, $0xF7A;
	s5 =	simm.s32 @!p2 $0x0  }
0x1d: {  	s5 =	simm.s32 @p1 $0x1;
	p0 =	seq.s32 s7, s2  }
0x1e: {  	s7 =	smul.u32 @!p0 $0xF7A, s2;
	p2 =	seq.s32 @!p0 s5, $0x0  }
0x1f: {  	s9 =	smul.u32 $0xF7A, s1;
	s8 =	simm.s32 @!p0 $0x1BF5;
	p2 =	por !p2, p0  }
0x20: {  	[sflag:s8] =	ssyncset.s32 @!p0 $0xFFFFF086;
	s6 =	sadd.s32 @!p0 s3, s7;
	s7 =	simm.s32 @!p0 $0x108  }
0x21: {  	s3 =	sadd.s32 s3, s9;
	s6 =	sadd.s32 @!p0 $0x88, s6;
	s7 =	simm.s32 @p2 $0x1082  }
0x22: {  	[simem:s7], [sflag:s8] =	dma.local @!p0 [hbm:s6], $0xF7A  }
0x23: {  	s9 =	sor.u32 $0xD0000000, s2;
	s6 =	simm.s32 $0x108;
	_ =	swait.ge @!p0 [sflag:s8], $0x0  }
0x24: {  	s3 =	sadd.s32 $0x88, s3;
	s6 =	simm.s32 @!p1 $0x1082;
	[sflag:s4] =	ssyncset.s32 $0xFFFFF086  }
0x25: {  	[simem:s6], [sflag:s4] =	dma.local [hbm:s3], $0xF7A  }
0x26: {  	[smem:$0x3F9D] =	sst s1;
	(tag) =	ssettag s2;
	_ =	strace s9  }
0x27: {  	s1 =	sld [smem:$0x3FAD]  }
0x28: {  	s2 =	sld [smem:$0x3FAE]  }
0x29: {  	s4 =	sld [smem:$0x3FB0]  }
0x2a: {  	p0 =	seq.s32 s5, $0x0;
	s5 =	sld [smem:$0x3FB1]  }
0x2b: {  	s6 =	sld [smem:$0x3FB2]  }
0x2c: {  	s7 =	sld [smem:$0x3FB3]  }
0x2d: {  	s3 =	simm.s32 $0x108;
	s8 =	sld [smem:$0x3FB4]  }
0x2e: {  	s3 =	simm.s32 @!p0 $0x1082;
	s9 =	sld [smem:$0x3FB5]  }
0x2f: {  	lr =	sadd.s32 s0, s3;
	s0 =	sld [smem:$0x3FAC]  }
0x30: {  	s3 =	sld [smem:$0x3FAF]  }
0x31: {  	[smem:$0x3FB8] =	sst s10  }
0x32: {  	s10 =	sld [smem:$0x3FB6];
	_ =	sdelay $0x3  }
0x33: {  	p0 =	seq.s32 s10, $0x1;
	s10 =	sld [smem:$0x3FB8];
	_ =	sdelay $0x3  }
0x34: {  	[smem:$0x3FB8] =	sst s10  }
0x35: {  	s10 =	sld [smem:$0x3FB7];
	_ =	sdelay $0x3  }
0x36: {  	p1 =	seq.s32 s10, $0x1;
	s10 =	sld [smem:$0x3FB8];
	_ =	sdelay $0x3  }
0x37: {  	[smem:$0x3FB8] =	sst s10  }
0x38: {  	s10 =	sld [smem:$0x3FB9]  }
0x39: {  	_ = 	snop;
	(pc) =	sbr.ind lr, $3  }
0x3a: {  	_ = 	snop  }
0x3b: {  	_ = 	snop  }
0x3c: {  	p2 =	seq.s32 s10, $0x1;
	s10 =	sld [smem:$0x3FB8]  }
0x3d: {  	_ =	shalt  }
0x3e: {  	_ =	shalt  }
0x3f: {  	_ =	shalt  }
0x40: {  	_ =	shalt  }
0x41: {  	_ =	shalt  }
0x42: {  	_ =	shalt  }
0x43: {  	_ =	shalt  }
0x44: {  	_ =	shalt  }
0x45: {  	_ =	shalt  }
0x46: {  	_ =	shalt  }
0x47: {  	_ =	shalt  }
0x48: {  	_ =	shalt  }
0x49: {  	_ =	shalt  }
0x4a: {  	_ =	shalt  }
0x4b: {  	_ =	shalt  }
0x4c: {  	_ =	shalt  }
0x4d: {  	_ =	shalt  }
0x4e: {  	_ =	shalt  }
0x4f: {  	_ =	shalt  }
0x50: {  	_ =	shalt  }
0x51: {  	_ =	shalt  }
0x52: {  	_ =	shalt  }
0x53: {  	_ =	shalt  }
0x54: {  	_ =	shalt  }
0x55: {  	_ =	shalt  }
0x56: {  	_ =	shalt  }
0x57: {  	_ =	shalt  }
0x58: {  	_ =	shalt  }
0x59: {  	_ =	shalt  }
0x5a: {  	_ =	shalt  }
0x5b: {  	_ =	shalt  }
0x5c: {  	_ =	shalt  }
0x5d: {  	_ =	shalt  }
0x5e: {  	_ =	shalt  }
0x5f: {  	_ =	shalt  }
0x60: {  	_ =	shalt  }
0x61: {  	_ =	shalt  }
0x62: {  	_ =	shalt  }
0x63: {  	_ =	shalt  }
0x64: {  	_ =	shalt  }
0x65: {  	_ =	shalt  }
0x66: {  	_ =	shalt  }
0x67: {  	_ =	shalt  }
0x68: {  	_ =	shalt  }
0x69: {  	_ =	shalt  }
0x6a: {  	_ =	shalt  }
0x6b: {  	_ =	shalt  }
0x6c: {  	_ =	shalt  }
0x6d: {  	_ =	shalt  }
0x6e: {  	_ =	shalt  }
0x6f: {  	_ =	shalt  }
0x70: {  	_ =	shalt  }
0x71: {  	_ =	shalt  }
0x72: {  	_ =	shalt  }
0x73: {  	_ =	shalt  }
0x74: {  	_ =	shalt  }
0x75: {  	_ =	shalt  }
0x76: {  	_ =	shalt  }
0x77: {  	_ =	shalt  }
0x78: {  	_ =	shalt  }
0x79: {  	_ =	shalt  }
0x7a: {  	_ =	shalt  }
0x7b: {  	_ =	shalt  }
0x7c: {  	_ =	shalt  }
0x7d: {  	_ =	shalt  }
0x7e: {  	_ =	shalt  }
0x7f: {  	_ =	shalt  }
0x80: {  	_ =	shalt  }
0x81: {  	_ =	shalt  }
0x82: {  	_ =	shalt  }
0x83: {  	_ =	shalt  }
0x84: {  	_ =	shalt  }
0x85: {  	_ =	shalt  }
0x86: {  	_ =	shalt  }
0x87: {  	_ =	shalt  }
.Lfunc_end0:
.L_simem_size_0:
called_computation.1_lowered:
.L_overlay_start_0:
0x88: {  	s2 =	sld [smem:$0x3FD9]  }
0x89: {  	s3 =	sld [smem:$0x3FFE];
	_ =	sdelay $0x1  }
0x8a: {  	s1 =	srdreg.scid  }
0x8b: {  	s0 =	sand.u32 $0x1, s1  }
0x8c: {  	s17 =	sshll.u32 s0, $0xA;
	s2 =	sadd.s32 s3, s2  }
0x8d: {  	s2 =	sadd.s32 s2, s17  }
0x8e: {  	[smem:$0x3FC4] =	sst s2  }
0x8f: {  	_ = 	snop  }
0x90: {  	s2 =	sld [smem:$0x3FD0];
	(tm) =	ssettm $0x1  }
0x91: {  	s18 =	sld [smem:$0x3FFB];
	_ =	sdelay $0x3  }
0x92: {  	_ =	strace s18  }
0x93: {  	s3 =	sld [smem:$0x3FFC];
	_ =	sdelay $0x3  }
0x94: {  	_ =	strace s3  }
0x95: {  	s3 =	sld [smem:$0x3FFD];
	_ =	sdelay $0x3  }
0x96: {  	_ =	strace s3  }
0x97: {  	_ =	strace $0x8FFFFFFF  }
0x98: {  	s19 =	sld [smem:$0x3FDB];
	_ =	sdelay $0x1  }
0x99: {  	s4 =	simm.s32 $_scs_section_size  }
0x9a: {  	s5 =	simm.s32 $_size__tile_overlayer_lowered;
	s6 =	simm.s32 $_tile_overlayer_lowered  }
0x9b: {  	s22 =	simm.s32 $0x1BFF;
	s21 =	sshll.u32 s6, $0x1;
	s3 =	sadd.s32 s4, s19  }
0x9c: {  	s7 =	simm.s32 $0x0;
	s20 =	sshll.u32 s5, $0x1;
	s5 =	sadd.s32 s21, s3  }
0x9d: {  	[timem:s7], [sflag:s22] =	dma.local [hbm:s5], s20  }
0x9e: {  	_ =	swait.ge [sflag:s22], s20  }
0x9f: {  	s4 =	ssub.s32 $0x0, s20;
	[sflag:s22] =	ssyncset.done $0x0  }
0xa0: {  	[sflag:s22] =	ssyncadd.s32 s4;
	_ =	sdelay $0x1  }
0xa1: {  	s23 =	simm.s32 $0x1B8B  }
0xa2: {  	_ =	swait.ge [sflag:s23], $0x1  }
0xa3: {  	[sflag:s23] =	ssyncset.done $0x0  }
0xa4: {  	s25 =	simm.s32 $0x1B8E;
	s24 =	sld [smem:$0x3FFE];
	[sflag:s23] =	ssyncadd.s32 $0xFFFFFFFF  }
0xa5: {  	s26 =	simm.s32 $execute0_lowered;
	[smem:$0x3FD2] =	sst s25  }
0xa6: {  	s5 =	sshll.u32 s26, $0x1;
	_ =	strace $0x80000049;
	[dreg:$0x1] =	wrdreg $0xFFFFFFFF  }
0xa7: {  	s28 =	simm.s32 $_size_execute0_lowered;
	s3 =	sadd.s32 s3, s5;
	[dreg:$0x0] =	wrdreg $0x0  }
0xa8: {  	s5 =	sshll.u32 s28, $0x1;
	[dreg:$0x2] =	wrdreg s3  }
0xa9: {  	[dreg:$0x3] =	wrdreg s5  }
0xaa: {  	[dreg:$0x4] =	wrdreg $0xC0  }
0xab: {  	_ =	task [dreg:s7], $0x5FFFF  }
0xac: {  	[dreg:$0x1] =	wrdreg $0xFFFFFFFF  }
0xad: {  	[dreg:$0x0] =	wrdreg $0x60  }
0xae: {  	[dreg:$0x2] =	wrdreg s2  }
0xaf: {  	[dreg:$0x3] =	wrdreg s24  }
0xb0: {  	[dreg:$0x4] =	wrdreg $0x83000  }
0xb1: {  	[dreg:$0x5] =	wrdreg $0x9  }
0xb2: {  	_ =	task.clear_ibuf [dreg:s7], $0x6FFFF;
	_ =	strace $0x90000049  }
0xb3: {  	s29 =	simm.s32 $0x9;
	_ =	strace $0x8000004B  }
0xb4: {  	_ =	swait.ge [sflag:s29], $0x1  }
0xb5: {  	[sflag:s29] =	ssyncadd.s32 $0xFFFFFFFF  }
0xb6: {  	_ =	strace $0x9000004B  }
0xb7: {  	_ =	sfence  }
0xb8: {  	s30 =	sld [smem:$0x0];
	_ =	sdelay $0x2  }
0xb9: {  	s31 =	sshll.u32 s1, $0xD;
	s1 =	sshrl.u32 s1, $0x2  }
0xba: {  	s3 =	sand.u32 $0x4000, s31;
	s1 =	sadd.s32 s1, s30  }
0xbb: {  	s0 =	sor.u32 s3, s0;
	s1 =	sshll.u32 s1, $0x11  }
0xbc: {  	s0 =	sor.u32 s1, s0  }
0xbd: {  	s0 =	sadd.s32 $0x8F2B, s0  }
0xbe: {  	[sflag:s0] =	ssyncadd.remote.s32 $0x1  }
0xbf: {  	_ =	sfence.sel $0xFFFF  }
0xc0: {  	[dreg:$0x0] =	wrdreg $0xFFFFFFFF;
	(pc) =	sbr.abs _section_cstart, $3  }
0xc1: {  	[dreg:$0x1] =	wrdreg $0xFFFFFFFF  }
0xc2: {  	_ =	task.clear_ibuf [dreg:s7], $0x2FFFF;
	_ =	strace $0x9FFFFFFF  }
0xc3: {  	(tm) =	ssettm $0x7FFFFFFF  }
tec
execute0_lowered:
.L_overlay_start_1:
0x0: {  	(tag) =	ssettag $0x1  }
0x1: {  	s0 =	rddreg [dreg:$0x0]  }
0x2: {  	s1 =	rddreg [dreg:$0x1];
	s2 =	srdreg.scid  }
0x3: {  	s3 =	rddreg [dreg:$0x2];
	s10 =	stileid.u32;
	s4 =	simm.s32 $0x0  }
0x4: {  	s28 =	simm.s32 $0x200;
	s29 =	simm.s32 $0x1;
	s30 =	simm.s32 $0x2  }
0x5: {  	s31 =	simm.s32 $0x280;
	s2 =	sand.u32 $0x1, s2;
	s7 =	smul.u32 $0x14000, s10  }
0x6: {  	[smem:$0x7FF] =	sst s4;
	s5 =	sadd.s32 $0xA600, s1;
	s9 =	smul.u32 $0x50000, s10  }
0x7: {  	s17 =	sshll.u32 s10, $0x1;
	s6 =	smul.u32 $0x140000, s2;
	_ =	strace $0x8000004A  }
0x8: {  	s18 =	ssub.s32 $0x2, s2;
	s2 =	sor.u32 s2, s17;
	s9 =	sshrl.u32 s9, $0x2  }
0x9: {  	s11 =	sshrl.u32 s18, $0x1;
	s7 =	sadd.s32 s7, s6;
	s9 =	sadd.s32 s9, s3  }
0xa: {  	s6 =	sadd.s32 $0x800, s1;
	s19 =	ssub.s32 s18, s11;
	s20 =	sadd.s32 $0x4000, s9  }
0xb: {  	s8 =	sshrl.u32 s7, $0x3;
	s21 =	sadd.s32 $0x8000, s9;
	[dreg:$0x4] =	wrdreg s20  }
0xc: {  	s7 =	sadd.s32 $0x15000, s1;
	s22 =	sadd.s32 $0xC000, s9;
	[dreg:$0x5] =	wrdreg s21  }
0xd: {  	s23 =	sadd.s32 $0x10000, s9;
	s19 =	smax.u32 s19, $0x1;
	[dreg:$0x6] =	wrdreg s22  }
0xe: {  	s1 =	sadd.s32 s8, s1;
	s8 =	smul.u32 $0x2780, s2;
	[dreg:$0x7] =	wrdreg s23  }
0xf: {  	s20 =	simm.s32 $0x300;
	s21 =	simm.s32 $0x5;
	s22 =	simm.s32 $0x80  }
.Ltmp0:
0x10: {  	s23 =	simm.s32 $0x100;
	s24 =	sshrl.u32 s8, $0x3;
	(pc) =	sbr.rel .LBB2_1-.Ltmp0, $4  }
0x11: {  	s18 =	sadd.s32 $0x1F800, s1;
	s1 =	simm.s32 $0x4;
	s25 =	sadd.s32 s5, s24  }
0x12: {  	s17 =	sadd.s32 $0x100, s8;
	s26 =	sadd.s32 s6, s24;
	[dreg:$0x8] =	wrdreg s25  }
0x13: {  	s10 =	sadd.s32 s7, s24;
	s24 =	simm.s32 $0x180;
	[dreg:$0x9] =	wrdreg s26  }
0x14: {  	v0 =	vimm.f32 $0.0e+00;
	v1 =	vimm.s32 $0x0;
	[dreg:$0xa] =	wrdreg s10;
	s25 =	simm.s32 $0x4300;
	s26 =	simm.s32 $0x3  }
.LBB2_11:
0x15: {  	_ =	swait.ge [sflag:s26], $0x4000  }
0x16: {  	[sflag:s26] =	ssyncset.done $0x0  }
0x17: {  	[sflag:s26] =	ssyncadd.s32 $0xFFFFC000  }
0x18: {  	s2 =	stileid.u32;
	_ =	swait.ge [sflag:s1], $0x4000  }
0x19: {  	s10 =	sshrl.u32 s9, $0x3;
	s4 =	sadd.s32 $0x1, s4;
	[sflag:s1] =	ssyncset.done $0x0  }
0x1a: {  	s2 =	sshll.u32 s2, $0x6;
	p0 =	sne.s32 s4, s19;
	[sflag:s1] =	ssyncadd.s32 $0xFFFFC000  }
.Ltmp1:
0x1b: {  	s2 =	sor.u32 $0x1C05, s2;
	[bflag:$0x0] =	sbarrier.arrive $0xFFFF;
	(pc) =	sbr.rel @!p0 .LBB2_12-.Ltmp1, $4  }
0x1c: {  	[hbm:s18], [sflag:s2] =	dma.local [spmem:s10], $0x2800  }
0x1d: {  	_ =	swait.ge [sflag:s21], $0x2800  }
0x1e: {  	[sflag:s21] =	ssyncset.done $0x0  }
0x1f: {  	[sflag:s21] =	ssyncadd.s32 $0xFFFFD800  }
.LBB2_1:
0x20: {  	s2 =	simm.s32 $0x0;
	s10 =	simm.s32 $0x200  }
.LBB2_2:
0x21: {  	p0 =	sne.s32 s10, $0xFE00;
	[tilespmem:s2+$0x4370] =	vst v0  }
0x22: {  	[tilespmem:s2+$0x300] =	vst v0  }
0x23: {  	[tilespmem:s2+$0x4300] =	vst v0  }
0x24: {  	[tilespmem:s2+$0x310] =	vst v0  }
0x25: {  	[tilespmem:s2+$0x4310] =	vst v0  }
0x26: {  	[tilespmem:s2+$0x320] =	vst v0  }
0x27: {  	[tilespmem:s2+$0x4320] =	vst v0  }
0x28: {  	[tilespmem:s2+$0x330] =	vst v0  }
0x29: {  	[tilespmem:s2+$0x4330] =	vst v0  }
0x2a: {  	[tilespmem:s2+$0x340] =	vst v0  }
0x2b: {  	[tilespmem:s2+$0x4340] =	vst v0  }
.Ltmp2:
0x2c: {  	[tilespmem:s2+$0x350] =	vst v0;
	(pc) =	sbr.rel @p0 .LBB2_2-.Ltmp2, $4  }
0x2d: {  	[tilespmem:s2+$0x4350] =	vst v0  }
0x2e: {  	[tilespmem:s2+$0x360] =	vst v0  }
0x2f: {  	[tilespmem:s2+$0x4360] =	vst v0  }
0x30: {  	[tilespmem:s2+$0x370] =	vst v0;
	s2 =	sshra.s32 s10, $0x2;
	s10 =	sadd.s32 $0x200, s10  }
0x31: {  	[tilespmem:s2+$0x4370] =	vst v0  }
0x32: {  	[tilespmem:s2+$0x300] =	vst v0  }
0x33: {  	[tilespmem:s2+$0x4300] =	vst v0  }
0x34: {  	[tilespmem:s2+$0x310] =	vst v0  }
0x35: {  	[tilespmem:s2+$0x4310] =	vst v0  }
0x36: {  	[tilespmem:s2+$0x320] =	vst v0  }
0x37: {  	[tilespmem:s2+$0x4320] =	vst v0  }
0x38: {  	[tilespmem:s2+$0x330] =	vst v0  }
0x39: {  	[tilespmem:s2+$0x4330] =	vst v0  }
0x3a: {  	[tilespmem:s2+$0x340] =	vst v0  }
0x3b: {  	[tilespmem:s2+$0x4340] =	vst v0  }
0x3c: {  	[tilespmem:s2+$0x350] =	vst v0  }
0x3d: {  	[tilespmem:s2+$0x4350] =	vst v0  }
0x3e: {  	[tilespmem:s2+$0x360] =	vst v0  }
0x3f: {  	[tilespmem:s2+$0x4360] =	vst v0  }
0x40: {  	[tilespmem:s2+$0x370] =	vst v0  }
0x41: {  	[tilespmem:$0x100] =	vst v1  }
0x42: {  	[tilespmem:$0x180] =	vst v1  }
0x43: {  	[tilespmem:$0x110] =	vst v1  }
0x44: {  	[tilespmem:$0x190] =	vst v1  }
0x45: {  	[tilespmem:$0x120] =	vst v1  }
0x46: {  	[tilespmem:$0x1A0] =	vst v1  }
0x47: {  	[tilespmem:$0x130] =	vst v1  }
0x48: {  	[tilespmem:$0x1B0] =	vst v1  }
0x49: {  	[tilespmem:$0x140] =	vst v1  }
0x4a: {  	[tilespmem:$0x1C0] =	vst v1  }
0x4b: {  	[tilespmem:$0x150] =	vst v1  }
0x4c: {  	[tilespmem:$0x1D0] =	vst v1  }
0x4d: {  	[tilespmem:$0x160] =	vst v1  }
0x4e: {  	[tilespmem:$0x1E0] =	vst v1  }
0x4f: {  	[tilespmem:$0x170] =	vst v1  }
0x50: {  	[tilespmem:$0x1F0] =	vst v1  }
0x51: {  	[spmem:s9] =	stream.linear.scatter [tilespmem:s20], [sflag:$0x5], $0x4000, $0x38;
	[tilespmem:$0x1C300] =	vst v63  }
0x52: {  	_ =	swait.ge [sflag:s21], $0x4000  }
0x53: {  	[sflag:s21] =	ssyncset.done $0x0  }
0x54: {  	s11 =	rddreg [dreg:$0x4];
	[sflag:s21] =	ssyncadd.s32 $0xFFFFC000  }
0x55: {  	[spmem:s11] =	stream.linear.scatter [tilespmem:s20], [sflag:$0x5], $0x4000, $0x38;
	[tilespmem:$0x1C300] =	vst v63  }
0x56: {  	_ =	swait.ge [sflag:s21], $0x4000  }
0x57: {  	[sflag:s21] =	ssyncset.done $0x0  }
0x58: {  	s12 =	rddreg [dreg:$0x5];
	[sflag:s21] =	ssyncadd.s32 $0xFFFFC000  }
0x59: {  	[spmem:s12] =	stream.linear.scatter [tilespmem:s20], [sflag:$0x5], $0x4000, $0x38;
	[tilespmem:$0x1C300] =	vst v63  }
0x5a: {  	_ =	swait.ge [sflag:s21], $0x4000  }
0x5b: {  	[sflag:s21] =	ssyncset.done $0x0  }
0x5c: {  	s13 =	rddreg [dreg:$0x6];
	[sflag:s21] =	ssyncadd.s32 $0xFFFFC000  }
0x5d: {  	[spmem:s13] =	stream.linear.scatter [tilespmem:s20], [sflag:$0x5], $0x4000, $0x38;
	[tilespmem:$0x1C300] =	vst v63  }
0x5e: {  	_ =	swait.ge [sflag:s21], $0x4000  }
0x5f: {  	[sflag:s21] =	ssyncset.done $0x0  }
0x60: {  	s14 =	rddreg [dreg:$0x7];
	[sflag:s21] =	ssyncadd.s32 $0xFFFFC000  }
0x61: {  	[spmem:s14] =	stream.linear.scatter [tilespmem:s20], [sflag:$0x5], $0x4000, $0x38;
	[tilespmem:$0x1C300] =	vst v63  }
0x62: {  	_ =	swait.ge [sflag:s21], $0x4000  }
0x63: {  	[sflag:s21] =	ssyncset.done $0x0  }
0x64: {  	[sflag:s21] =	ssyncadd.s32 $0xFFFFC000  }
0x65: {  	[bflag:$0x0] =	sbarrier.arrive $0xFFFF  }
0x66: {  	[spmem:s3] =	stream.indirect.scatter.add.f32 [tilespmem:s20], [sflag:$0x3], $0x80, s23, s22, $0xb8;
	[tilespmem:$0x1C300] =	vst v63  }
0x67: {  	_ = 	snop  }
0x68: {  	[spmem:s3] =	stream.indirect.scatter.add.f32 [tilespmem:s25], [sflag:$0x4], $0x80, s24, s22, $0xb8;
	[tilespmem:$0x1C300] =	vst v63  }
0x69: {  	_ =	swait.ge [sflag:s26], $0x4000  }
0x6a: {  	[sflag:s26] =	ssyncset.done $0x0  }
0x6b: {  	s2 =	simm.s32 $0x0;
	s10 =	rddreg [dreg:$0x8];
	[sflag:s26] =	ssyncadd.s32 $0xFFFFC000  }
0x6c: {  	[tilespmem:s2], [sflag:$0x5] =	stream.linear.gather [hbm4b:s10+s2], $0x80, $0x38;
	[tilespmem:$0x1C300] =	vst v63  }
0x6d: {  	_ =	swait.ge [sflag:s21], $0x80  }
0x6e: {  	[sflag:s21] =	ssyncset.done $0x0  }
0x6f: {  	s15 =	rddreg [dreg:$0x9];
	[sflag:s21] =	ssyncadd.s32 $0xFFFFFF80  }
0x70: {  	[tilespmem:s23], [sflag:$0x5] =	stream.linear.gather [hbm4b:s15+s2], $0x80, $0x38;
	[tilespmem:$0x1C300] =	vst v63  }
0x71: {  	_ =	swait.ge [sflag:s21], $0x80  }
0x72: {  	[sflag:s21] =	ssyncset.done $0x0  }
0x73: {  	s16 =	rddreg [dreg:$0xa];
	[sflag:s21] =	ssyncadd.s32 $0xFFFFFF80  }
0x74: {  	[tilespmem:s28], [sflag:$0x5] =	stream.linear.gather [hbm4b:s16+s2], $0x80, $0x38;
	[tilespmem:$0x1C300] =	vst v63  }
.Ltmp3:
0x75: {  	_ = 	snop;
	(pc) =	sbr.rel .LBB2_4-.Ltmp3, $4  }
0x76: {  	_ =	swait.ge [sflag:s21], $0x80  }
0x77: {  	[sflag:s21] =	ssyncset.done $0x0  }
0x78: {  	s10 =	simm.s32 $0x0;
	[sflag:s21] =	ssyncadd.s32 $0xFFFFFF80  }
0x79: {  	[tilespmem:s20], [sflag:$0x1] =	stream.indirect.gather [hbm4b:s0+s22], $0x80, s2, s22, $0xb8;
	[tilespmem:$0x1C300] =	vst v63  }
.LBB2_10:
0x7a: {  	s10 =	sadd.s32 $0x1, s10  }
0x7b: {  	p0 =	sne.s32 s10, $0x28  }
.Ltmp4:
0x7c: {  	_ = 	snop;
	(pc) =	sbr.rel @!p0 .LBB2_11-.Ltmp4, $1  }
0x7d: {  	_ =	sdelay $0x3  }
.LBB2_4:
0x7e: {  	s11 =	sshllo.u32 s10, $0x1  }
0x7f: {  	p0 =	sgt.u32 s11, $0x4E  }
0x80: {  	s12 =	simm.s32 @!p0 $0x4;
	s11 =	sshll.u32 @!p0 s11, $0x7  }
0x81: {  	_ =	swait.ge @!p0 [sflag:s12], $0x4000;
	s11 =	sadd.s32 @!p0 s8, s11  }
0x82: {  	s13 =	simm.s32 @!p0 $0x0;
	[sflag:s12] =	ssyncset.done @!p0 $0x0;
	s11 =	sshrl.u32 @!p0 s11, $0x3  }
0x83: {  	s14 =	simm.s32 @!p0 $0x80;
	[sflag:s12] =	ssyncadd.s32 @!p0 $0xFFFFC000;
	s12 =	sadd.s32 @!p0 s5, s11  }
0x84: {  	[tilespmem:s14], [sflag:$0x5] =	stream.linear.gather @!p0 [hbm4b:s12+s13], $0x80, $0x38;
	[tilespmem:$0x1C300] =	vst v63  }
0x85: {  	s12 =	simm.s32 @!p0 $0x5  }
0x86: {  	_ =	swait.ge @!p0 [sflag:s12], $0x80  }
0x87: {  	[sflag:s12] =	ssyncset.done @!p0 $0x0  }
0x88: {  	s16 =	simm.s32 @!p0 $0x180;
	s15 =	sadd.s32 @!p0 s6, s11;
	[sflag:s12] =	ssyncadd.s32 @!p0 $0xFFFFFF80  }
0x89: {  	[tilespmem:s16], [sflag:$0x5] =	stream.linear.gather @!p0 [hbm4b:s15+s13], $0x80, $0x38;
	[tilespmem:$0x1C300] =	vst v63  }
0x8a: {  	_ =	swait.ge @!p0 [sflag:s12], $0x80  }
0x8b: {  	[sflag:s12] =	ssyncset.done @!p0 $0x0  }
0x8c: {  	s11 =	sadd.s32 @!p0 s7, s11;
	s15 =	simm.s32 @!p0 $0x280;
	[sflag:s12] =	ssyncadd.s32 @!p0 $0xFFFFFF80  }
0x8d: {  	[tilespmem:s15], [sflag:$0x5] =	stream.linear.gather @!p0 [hbm4b:s11+s13], $0x80, $0x38;
	[tilespmem:$0x1C300] =	vst v63  }
0x8e: {  	v2 =	vmov s2;
	_ =	swait.ge @!p0 [sflag:s12], $0x80  }
0x8f: {  	v2 =	vand.u32 $0xFFFFFFFC, v2;
	[sflag:s12] =	ssyncset.done @!p0 $0x0  }
0x90: {  	v2 =	vbroadcast v2, $0x0;
	s11 =	simm.s32 @!p0 $0x4300;
	[sflag:s12] =	ssyncadd.s32 @!p0 $0xFFFFFF80  }
0x91: {  	[tilespmem:s11], [sflag:$0x2] =	stream.indirect.gather @!p0 [hbm4b:s0+s14], $0x80, s14, s14, $0xb8;
	[tilespmem:$0x1C300] =	vst v63  }
0x92: {  	_ =	swait.ge [sflag:s29], $0x4000  }
0x93: {  	[sflag:s29] =	ssyncset.done $0x0  }
0x94: {  	s11 =	simm.s32 $0x400;
	[sflag:s29] =	ssyncadd.s32 $0xFFFFC000  }
0x95: {  	v3 =	vld [tilespmem:s11+$0xFFFFFF70]  }
0x96: {  	v2 =	vld.idx.msk [tilespmem:v2+s28+$0x0], $0xffff  }
0x97: {  	v4 =	vld [tilespmem:s11+$0xFFFFFF00]  }
0x98: {  	v5 =	vld [tilespmem:s11+$0xFFFFFF20]  }
0x99: {  	v6 =	vld [tilespmem:s11+$0xFFFFFF50]  }
0x9a: {  	v7 =	vld [tilespmem:s11+$0xFFFFFF40]  }
0x9b: {  	v8 =	vld [tilespmem:s11+$0xFFFFFF60];
	v3 =	vmul.f32 v3, v2  }
0x9c: {  	s15 =	simm.s32 $0x1;
	v9 =	vld [tilespmem:s11+$0xFFFFFF30];
	v4 =	vmul.f32 v4, v2  }
0x9d: {  	v10 =	vld [tilespmem:s11+$0xFFFFFF10];
	v5 =	vmul.f32 v5, v2;
	[tilespmem:s11+$0xFFFFFF70] =	vst v3;
	v3 =	vmov s15  }
0x9e: {  	v6 =	vmul.f32 v6, v2;
	[tilespmem:s11+$0xFFFFFF00] =	vst v4;
	v3 =	vand.u32 $0xFFFFFFFD, v3  }
0x9f: {  	v4 =	vmul.f32 v7, v2;
	[tilespmem:s11+$0xFFFFFF20] =	vst v5;
	v3 =	vbroadcast v3, $0x0  }
0xa0: {  	v5 =	vmul.f32 v8, v2;
	[tilespmem:s11+$0xFFFFFF50] =	vst v6  }
0xa1: {  	v6 =	vmul.f32 v9, v2;
	[tilespmem:s11+$0xFFFFFF40] =	vst v4  }
0xa2: {  	v2 =	vmul.f32 v10, v2;
	[tilespmem:s11+$0xFFFFFF60] =	vst v5  }
0xa3: {  	[tilespmem:s11+$0xFFFFFF30] =	vst v6  }
0xa4: {  	[tilespmem:s11+$0xFFFFFF10] =	vst v2;
	v2 =	vld [tilespmem:s11+$0xFFFFFF90]  }
0xa5: {  	v4 =	vld.idx.msk [tilespmem:v3+s28+$0x0], $0xffff  }
0xa6: {  	v3 =	vld [tilespmem:s11+$0xFFFFFFA0]  }
0xa7: {  	v5 =	vld [tilespmem:s11+$0xFFFFFF80]  }
0xa8: {  	v6 =	vld [tilespmem:s11+$0xFFFFFFB0]  }
0xa9: {  	v7 =	vld [tilespmem:s11+$0xFFFFFFC0]  }
0xaa: {  	v8 =	vld [tilespmem:s11+$0xFFFFFFD0];
	v2 =	vmul.f32 v2, v4  }
0xab: {  	s16 =	simm.s32 $0x2;
	v9 =	vld [tilespmem:s11+$0xFFFFFFF0];
	v3 =	vmul.f32 v3, v4  }
0xac: {  	v10 =	vld [tilespmem:s11+$0xFFFFFFE0];
	v5 =	vmul.f32 v5, v4;
	[tilespmem:s11+$0xFFFFFF90] =	vst v2;
	v2 =	vmov s16  }
0xad: {  	v6 =	vmul.f32 v6, v4;
	[tilespmem:s11+$0xFFFFFFA0] =	vst v3;
	v2 =	vand.u32 $0xFFFFFFFE, v2  }
0xae: {  	v3 =	vmul.f32 v7, v4;
	[tilespmem:s11+$0xFFFFFF80] =	vst v5;
	v7 =	vld [tilespmem:s11+$0x60];
	v11 =	vbroadcast v2, $0x0  }
0xaf: {  	v5 =	vmul.f32 v8, v4;
	[tilespmem:s11+$0xFFFFFFB0] =	vst v6;
	v8 =	vld [tilespmem:s11+$0x0]  }
0xb0: {  	v6 =	vmul.f32 v9, v4;
	v2 =	vld [tilespmem:s11+$0x20];
	[tilespmem:s11+$0xFFFFFFC0] =	vst v3  }
0xb1: {  	v4 =	vmul.f32 v10, v4;
	v3 =	vld [tilespmem:s11+$0x30];
	[tilespmem:s11+$0xFFFFFFD0] =	vst v5  }
0xb2: {  	[tilespmem:s11+$0xFFFFFFF0] =	vst v6;
	v5 =	vld [tilespmem:s11+$0x40]  }
0xb3: {  	[tilespmem:s11+$0xFFFFFFE0] =	vst v4;
	v6 =	vld [tilespmem:s11+$0x10]  }
0xb4: {  	s13 =	simm.s32 $0x4;
	s12 =	simm.s32 $0x0;
	s14 =	simm.s32 $0x400;
	v4 =	vld.idx.msk [tilespmem:v11+s28+$0x0], $0xffff  }
.LBB2_5:
0xb5: {  	p1 =	sne.s32 s13, $0x7C  }
0xb6: {  	v9 =	vld [tilespmem:s11+$0x50];
	s14 =	sadd.s32 $0x200, s14;
	s15 =	smov.u32 s13;
	s13 =	sadd.s32 $0x4, s13  }
0xb7: {  	v10 =	vld [tilespmem:s11+$0x70];
	_ =	sdelay $0x1  }
0xb8: {  	v7 =	vmul.f32 v7, v4;
	v8 =	vmul.f32 v8, v4  }
0xb9: {  	v5 =	vmul.f32 v5, v4;
	v6 =	vmul.f32 v6, v4  }
0xba: {  	v2 =	vmul.f32 v2, v4;
	v3 =	vmul.f32 v3, v4;
	[tilespmem:s11+$0x60] =	vst v7  }
0xbb: {  	[tilespmem:s11+$0x40] =	vst v5;
	v5 =	vmul.f32 v9, v4;
	v4 =	vmul.f32 v10, v4  }
0xbc: {  	s16 =	sadd.s32 $0x3, s12;
	s12 =	smov.u32 s15;
	[tilespmem:s11+$0x20] =	vst v2;
	v7 =	vld [tilespmem:s11+$0x80]  }
0xbd: {  	v2 =	vld [tilespmem:s14+$0x20];
	[tilespmem:s11+$0x0] =	vst v8;
	v8 =	vmov s16  }
0xbe: {  	[tilespmem:s11+$0x50] =	vst v5;
	v5 =	vld [tilespmem:s11+$0xE0]  }
0xbf: {  	[tilespmem:s11+$0x30] =	vst v3;
	v9 =	vld [tilespmem:s11+$0xC0]  }
0xc0: {  	v3 =	vld [tilespmem:s14+$0x30];
	[tilespmem:s11+$0x10] =	vst v6  }
0xc1: {  	[tilespmem:s11+$0x70] =	vst v4;
	v4 =	vld [tilespmem:s11+$0xA0]  }
0xc2: {  	v6 =	vld.idx.msk [tilespmem:v8+s28+$0x0], $0xffff  }
0xc3: {  	v8 =	vld [tilespmem:s11+$0x90]  }
0xc4: {  	v10 =	vld [tilespmem:s11+$0xB0]  }
0xc5: {  	v11 =	vld [tilespmem:s11+$0xD0]  }
0xc6: {  	v12 =	vld [tilespmem:s11+$0xF0];
	_ =	sdelay $0x1  }
0xc7: {  	v7 =	vmul.f32 v7, v6;
	v8 =	vmul.f32 v8, v6  }
0xc8: {  	v4 =	vmul.f32 v4, v6;
	v10 =	vmul.f32 v10, v6  }
0xc9: {  	v13 =	vmov s12;
	[tilespmem:s11+$0x80] =	vst v7;
	v7 =	vmul.f32 v9, v6;
	v9 =	vmul.f32 v11, v6  }
0xca: {  	v11 =	vand.u32 $0xFFFFFFFC, v13;
	[tilespmem:s11+$0xA0] =	vst v4;
	v4 =	vmul.f32 v5, v6;
	v5 =	vmul.f32 v12, v6  }
0xcb: {  	v6 =	vbroadcast v11, $0x0;
	[tilespmem:s11+$0xC0] =	vst v7  }
0xcc: {  	[tilespmem:s11+$0xF0] =	vst v5  }
0xcd: {  	v5 =	vld [tilespmem:s14+$0xFFFFFF40];
	[tilespmem:s11+$0xE0] =	vst v4  }
0xce: {  	v4 =	vld [tilespmem:s14+$0xFFFFFF50];
	[tilespmem:s11+$0x90] =	vst v8  }
0xcf: {  	v7 =	vld [tilespmem:s14+$0xFFFFFF60];
	[tilespmem:s11+$0xB0] =	vst v10  }
0xd0: {  	v8 =	vld [tilespmem:s14+$0xFFFFFF70];
	[tilespmem:s11+$0xD0] =	vst v9;
	s11 =	smov.u32 s14  }
0xd1: {  	v6 =	vld.idx.msk [tilespmem:v6+s28+$0x0], $0xffff  }
0xd2: {  	v9 =	vld [tilespmem:s14+$0xFFFFFF00]  }
0xd3: {  	v10 =	vld [tilespmem:s14+$0xFFFFFF20]  }
0xd4: {  	v11 =	vld [tilespmem:s14+$0xFFFFFF10]  }
0xd5: {  	v12 =	vld [tilespmem:s14+$0xFFFFFF30];
	_ =	sdelay $0x1  }
0xd6: {  	v8 =	vmul.f32 v8, v6;
	v9 =	vmul.f32 v9, v6  }
0xd7: {  	s15 =	sadd.s32 $0x1, s12;
	v7 =	vmul.f32 v7, v6;
	v10 =	vmul.f32 v10, v6  }
0xd8: {  	v4 =	vmul.f32 v4, v6;
	v11 =	vmul.f32 v11, v6;
	[tilespmem:s14+$0xFFFFFF70] =	vst v8;
	v8 =	vmov s15  }
0xd9: {  	v5 =	vmul.f32 v5, v6;
	[tilespmem:s14+$0xFFFFFF00] =	vst v9;
	v9 =	vmul.f32 v12, v6;
	v6 =	vand.u32 $0xFFFFFFFD, v8  }
0xda: {  	[tilespmem:s14+$0xFFFFFF20] =	vst v10;
	v6 =	vbroadcast v6, $0x0  }
0xdb: {  	[tilespmem:s14+$0xFFFFFF50] =	vst v4  }
0xdc: {  	[tilespmem:s14+$0xFFFFFF40] =	vst v5;
	v4 =	vld [tilespmem:s14+$0xFFFFFFF0]  }
0xdd: {  	[tilespmem:s14+$0xFFFFFF60] =	vst v7;
	v5 =	vld [tilespmem:s14+$0xFFFFFFC0]  }
0xde: {  	[tilespmem:s14+$0xFFFFFF30] =	vst v9;
	v7 =	vld [tilespmem:s14+$0xFFFFFFD0]  }
0xdf: {  	[tilespmem:s14+$0xFFFFFF10] =	vst v11;
	v8 =	vld [tilespmem:s14+$0xFFFFFF90]  }
0xe0: {  	v6 =	vld.idx.msk [tilespmem:v6+s28+$0x0], $0xffff  }
0xe1: {  	v9 =	vld [tilespmem:s14+$0xFFFFFF80]  }
0xe2: {  	v10 =	vld [tilespmem:s14+$0xFFFFFFA0]  }
0xe3: {  	v11 =	vld [tilespmem:s14+$0xFFFFFFB0]  }
0xe4: {  	v12 =	vld [tilespmem:s14+$0xFFFFFFE0];
	_ =	sdelay $0x1  }
0xe5: {  	v8 =	vmul.f32 v8, v6;
	v9 =	vmul.f32 v9, v6  }
0xe6: {  	s15 =	sadd.s32 $0x2, s12;
	v7 =	vmul.f32 v7, v6;
	v10 =	vmul.f32 v10, v6  }
0xe7: {  	v5 =	vmul.f32 v5, v6;
	[tilespmem:s14+$0xFFFFFF90] =	vst v8;
	v8 =	vmul.f32 v11, v6;
	v11 =	vmov s15  }
0xe8: {  	v4 =	vmul.f32 v4, v6;
	[tilespmem:s14+$0xFFFFFFA0] =	vst v10;
	v10 =	vmul.f32 v12, v6;
	v6 =	vand.u32 $0xFFFFFFFE, v11  }
0xe9: {  	[tilespmem:s14+$0xFFFFFF80] =	vst v9;
	v6 =	vbroadcast v6, $0x0  }
0xea: {  	[tilespmem:s14+$0xFFFFFFB0] =	vst v8  }
0xeb: {  	[tilespmem:s14+$0xFFFFFFC0] =	vst v5  }
0xec: {  	[tilespmem:s14+$0xFFFFFFD0] =	vst v7  }
.Ltmp5:
0xed: {  	[tilespmem:s14+$0xFFFFFFF0] =	vst v4;
	v5 =	vld [tilespmem:s14+$0x40];
	(pc) =	sbr.rel @p1 .LBB2_5-.Ltmp5, $4  }
0xee: {  	[tilespmem:s14+$0xFFFFFFE0] =	vst v10;
	v7 =	vld [tilespmem:s14+$0x60]  }
0xef: {  	v4 =	vld.idx.msk [tilespmem:v6+s28+$0x0], $0xffff  }
0xf0: {  	v8 =	vld [tilespmem:s14+$0x0]  }
0xf1: {  	v6 =	vld [tilespmem:s14+$0x10]  }
0xf2: {  	_ =	sdelay $0x1  }
0xf3: {  	v7 =	vmul.f32 v7, v4  }
0xf4: {  	v9 =	vld [tilespmem:s11+$0x50];
	v5 =	vmul.f32 v5, v4  }
0xf5: {  	v10 =	vld [tilespmem:s11+$0x70];
	v2 =	vmul.f32 v2, v4;
	[tilespmem:s11+$0x60] =	vst v7  }
0xf6: {  	v50 =	vmul.f32 v8, v4;
	[tilespmem:s11+$0x40] =	vst v5  }
0xf7: {  	s12 =	sadd.s32 $0x3, s12;
	[tilespmem:s11+$0x20] =	vst v2;
	v2 =	vmul.f32 v3, v4  }
0xf8: {  	v52 =	vmov s12;
	v6 =	vmul.f32 v6, v4;
	[tilespmem:s11+$0x0] =	vst v50  }
0xf9: {  	v51 =	vmul.f32 v9, v4;
	[tilespmem:s11+$0x30] =	vst v2  }
0xfa: {  	v53 =	vmul.f32 v10, v4;
	[tilespmem:s11+$0x10] =	vst v6  }
0xfb: {  	[tilespmem:s11+$0x50] =	vst v51  }
0xfc: {  	v3 =	vld [tilespmem:s11+$0x80];
	[tilespmem:s11+$0x70] =	vst v53  }
0xfd: {  	v2 =	vld.idx.msk [tilespmem:v52+s28+$0x0], $0xffff  }
0xfe: {  	v54 =	vld [tilespmem:s11+$0xA0]  }
0xff: {  	v56 =	vld [tilespmem:s11+$0xF0]  }
0x100: {  	v57 =	vld [tilespmem:s11+$0xE0]  }
0x101: {  	v55 =	vld [tilespmem:s11+$0xC0]  }
0x102: {  	v59 =	vld [tilespmem:s11+$0xB0];
	v3 =	vmul.f32 v3, v2  }
0x103: {  	v58 =	vld [tilespmem:s11+$0x90];
	v4 =	vmul.f32 v54, v2  }
0x104: {  	v60 =	vld [tilespmem:s11+$0xD0];
	v61 =	vmul.f32 v56, v2;
	[tilespmem:s11+$0x80] =	vst v3  }
0x105: {  	v62 =	vmul.f32 v57, v2;
	[tilespmem:s11+$0xA0] =	vst v4  }
0x106: {  	v3 =	vmul.f32 v55, v2;
	[tilespmem:s11+$0xF0] =	vst v61  }
0x107: {  	v63 =	vmul.f32 v59, v2;
	[tilespmem:s11+$0xE0] =	vst v62  }
0x108: {  	[tilespmem:s11+$0xC0] =	vst v3;
	v3 =	vmul.f32 v58, v2  }
0x109: {  	[tilespmem:s11+$0xB0] =	vst v63;
	v2 =	vmul.f32 v60, v2  }
0x10a: {  	p1 =	seq.s32 s10, $0x27;
	[tilespmem:s11+$0x90] =	vst v3  }
0x10b: {  	s12 =	sshll.u32 @!p1 s10, $0x8;
	[tilespmem:s11+$0xD0] =	vst v2;
	s11 =	simm.s32 @!p1 $0x3  }
0x10c: {  	[spmem:s3] =	stream.indirect.scatter.add.f32 [tilespmem:s20], [sflag:$0x3], $0x80, s23, s22, $0xb8;
	[tilespmem:$0x1C300] =	vst v63  }
0x10d: {  	s12 =	sadd.s32 @!p1 s12, s17;
	_ =	swait.ge @!p1 [sflag:s11], $0x4000  }
0x10e: {  	s12 =	sshrl.u32 @!p1 s12, $0x3;
	[sflag:s11] =	ssyncset.done @!p1 $0x0  }
0x10f: {  	s13 =	simm.s32 @!p1 $0x0;
	[sflag:s11] =	ssyncadd.s32 @!p1 $0xFFFFC000;
	s11 =	sadd.s32 @!p1 s5, s12  }
0x110: {  	[tilespmem:s13], [sflag:$0x5] =	stream.linear.gather @!p1 [hbm4b:s11+s13], $0x80, $0x38;
	[tilespmem:$0x1C300] =	vst v63  }
0x111: {  	s11 =	simm.s32 @!p1 $0x5  }
0x112: {  	_ =	swait.ge @!p1 [sflag:s11], $0x80  }
0x113: {  	[sflag:s11] =	ssyncset.done @!p1 $0x0  }
0x114: {  	s15 =	simm.s32 @!p1 $0x100;
	s14 =	sadd.s32 @!p1 s6, s12;
	[sflag:s11] =	ssyncadd.s32 @!p1 $0xFFFFFF80  }
0x115: {  	[tilespmem:s15], [sflag:$0x5] =	stream.linear.gather @!p1 [hbm4b:s14+s13], $0x80, $0x38;
	[tilespmem:$0x1C300] =	vst v63  }
0x116: {  	_ =	swait.ge @!p1 [sflag:s11], $0x80  }
0x117: {  	[sflag:s11] =	ssyncset.done @!p1 $0x0  }
0x118: {  	s12 =	sadd.s32 @!p1 s7, s12;
	s14 =	simm.s32 @!p1 $0x200;
	[sflag:s11] =	ssyncadd.s32 @!p1 $0xFFFFFF80  }
0x119: {  	[tilespmem:s14], [sflag:$0x5] =	stream.linear.gather @!p1 [hbm4b:s12+s13], $0x80, $0x38;
	[tilespmem:$0x1C300] =	vst v63  }
.Ltmp6:
0x11a: {  	_ = 	snop;
	(pc) =	sbr.rel @p0 .LBB2_10-.Ltmp6, $4  }
0x11b: {  	_ =	swait.ge @!p1 [sflag:s11], $0x80  }
0x11c: {  	[sflag:s11] =	ssyncset.done @!p1 $0x0  }
0x11d: {  	s12 =	simm.s32 @!p1 $0x300;
	[sflag:s11] =	ssyncadd.s32 @!p1 $0xFFFFFF80;
	s11 =	simm.s32 @!p1 $0x80  }
0x11e: {  	[tilespmem:s12], [sflag:$0x1] =	stream.indirect.gather @!p1 [hbm4b:s0+s11], $0x80, s13, s11, $0xb8;
	[tilespmem:$0x1C300] =	vst v63  }
0x11f: {  	s12 =	simm.s32 $0x0  }
0x120: {  	v2 =	vmov s12  }
0x121: {  	v2 =	vand.u32 $0xFFFFFFFC, v2  }
0x122: {  	v2 =	vbroadcast v2, $0x0;
	_ =	sdelay $0x1  }
0x123: {  	_ =	swait.ge [sflag:s30], $0x4000  }
0x124: {  	[sflag:s30] =	ssyncset.done $0x0  }
0x125: {  	s11 =	simm.s32 $0x4400;
	[sflag:s30] =	ssyncadd.s32 $0xFFFFC000  }
0x126: {  	v3 =	vld [tilespmem:s11+$0xFFFFFF70]  }
0x127: {  	v2 =	vld.idx.msk [tilespmem:v2+s31+$0x0], $0xffff  }
0x128: {  	v4 =	vld [tilespmem:s11+$0xFFFFFF00]  }
0x129: {  	v5 =	vld [tilespmem:s11+$0xFFFFFF20]  }
0x12a: {  	v6 =	vld [tilespmem:s11+$0xFFFFFF50]  }
0x12b: {  	v7 =	vld [tilespmem:s11+$0xFFFFFF40]  }
0x12c: {  	v8 =	vld [tilespmem:s11+$0xFFFFFF60];
	v3 =	vmul.f32 v3, v2  }
0x12d: {  	s13 =	simm.s32 $0x1;
	v9 =	vld [tilespmem:s11+$0xFFFFFF30];
	v4 =	vmul.f32 v4, v2  }
0x12e: {  	v10 =	vld [tilespmem:s11+$0xFFFFFF10];
	v5 =	vmul.f32 v5, v2;
	[tilespmem:s11+$0xFFFFFF70] =	vst v3;
	v3 =	vmov s13  }
0x12f: {  	v6 =	vmul.f32 v6, v2;
	[tilespmem:s11+$0xFFFFFF00] =	vst v4;
	v3 =	vand.u32 $0xFFFFFFFD, v3  }
0x130: {  	v4 =	vmul.f32 v7, v2;
	[tilespmem:s11+$0xFFFFFF20] =	vst v5;
	v3 =	vbroadcast v3, $0x0  }
0x131: {  	v5 =	vmul.f32 v8, v2;
	[tilespmem:s11+$0xFFFFFF50] =	vst v6  }
0x132: {  	v6 =	vmul.f32 v9, v2;
	[tilespmem:s11+$0xFFFFFF40] =	vst v4  }
0x133: {  	v2 =	vmul.f32 v10, v2;
	[tilespmem:s11+$0xFFFFFF60] =	vst v5  }
0x134: {  	[tilespmem:s11+$0xFFFFFF30] =	vst v6  }
0x135: {  	[tilespmem:s11+$0xFFFFFF10] =	vst v2;
	v2 =	vld [tilespmem:s11+$0xFFFFFF90]  }
0x136: {  	v4 =	vld.idx.msk [tilespmem:v3+s31+$0x0], $0xffff  }
0x137: {  	v3 =	vld [tilespmem:s11+$0xFFFFFFA0]  }
0x138: {  	v5 =	vld [tilespmem:s11+$0xFFFFFF80]  }
0x139: {  	v6 =	vld [tilespmem:s11+$0xFFFFFFB0]  }
0x13a: {  	v7 =	vld [tilespmem:s11+$0xFFFFFFC0]  }
0x13b: {  	v8 =	vld [tilespmem:s11+$0xFFFFFFD0];
	v2 =	vmul.f32 v2, v4  }
0x13c: {  	s16 =	simm.s32 $0x2;
	v9 =	vld [tilespmem:s11+$0xFFFFFFF0];
	v3 =	vmul.f32 v3, v4  }
0x13d: {  	v10 =	vld [tilespmem:s11+$0xFFFFFFE0];
	v5 =	vmul.f32 v5, v4;
	[tilespmem:s11+$0xFFFFFF90] =	vst v2;
	v2 =	vmov s16  }
0x13e: {  	v6 =	vmul.f32 v6, v4;
	[tilespmem:s11+$0xFFFFFFA0] =	vst v3;
	v2 =	vand.u32 $0xFFFFFFFE, v2  }
0x13f: {  	v3 =	vmul.f32 v7, v4;
	[tilespmem:s11+$0xFFFFFF80] =	vst v5;
	v7 =	vld [tilespmem:s11+$0x60];
	v11 =	vbroadcast v2, $0x0  }
0x140: {  	v5 =	vmul.f32 v8, v4;
	[tilespmem:s11+$0xFFFFFFB0] =	vst v6;
	v8 =	vld [tilespmem:s11+$0x0]  }
0x141: {  	v6 =	vmul.f32 v9, v4;
	v2 =	vld [tilespmem:s11+$0x20];
	[tilespmem:s11+$0xFFFFFFC0] =	vst v3  }
0x142: {  	v4 =	vmul.f32 v10, v4;
	v3 =	vld [tilespmem:s11+$0x30];
	[tilespmem:s11+$0xFFFFFFD0] =	vst v5  }
0x143: {  	[tilespmem:s11+$0xFFFFFFF0] =	vst v6;
	v5 =	vld [tilespmem:s11+$0x40]  }
0x144: {  	[tilespmem:s11+$0xFFFFFFE0] =	vst v4;
	v6 =	vld [tilespmem:s11+$0x10]  }
0x145: {  	s14 =	simm.s32 $0x4400;
	s13 =	simm.s32 $0x4;
	v4 =	vld.idx.msk [tilespmem:v11+s31+$0x0], $0xffff  }
.LBB2_8:
0x146: {  	p0 =	sne.s32 s13, $0x7C  }
0x147: {  	v9 =	vld [tilespmem:s11+$0x50];
	s14 =	sadd.s32 $0x200, s14;
	s15 =	smov.u32 s13;
	s13 =	sadd.s32 $0x4, s13  }
0x148: {  	v10 =	vld [tilespmem:s11+$0x70];
	_ =	sdelay $0x1  }
0x149: {  	v7 =	vmul.f32 v7, v4;
	v8 =	vmul.f32 v8, v4  }
0x14a: {  	v5 =	vmul.f32 v5, v4;
	v6 =	vmul.f32 v6, v4  }
0x14b: {  	v2 =	vmul.f32 v2, v4;
	v3 =	vmul.f32 v3, v4;
	[tilespmem:s11+$0x60] =	vst v7  }
0x14c: {  	[tilespmem:s11+$0x40] =	vst v5;
	v5 =	vmul.f32 v9, v4;
	v4 =	vmul.f32 v10, v4  }
0x14d: {  	s16 =	sadd.s32 $0x3, s12;
	s12 =	smov.u32 s15;
	[tilespmem:s11+$0x20] =	vst v2;
	v7 =	vld [tilespmem:s11+$0x80]  }
0x14e: {  	v2 =	vld [tilespmem:s14+$0x20];
	[tilespmem:s11+$0x0] =	vst v8;
	v8 =	vmov s16  }
0x14f: {  	[tilespmem:s11+$0x50] =	vst v5;
	v5 =	vld [tilespmem:s11+$0xE0]  }
0x150: {  	[tilespmem:s11+$0x30] =	vst v3;
	v9 =	vld [tilespmem:s11+$0xC0]  }
0x151: {  	v3 =	vld [tilespmem:s14+$0x30];
	[tilespmem:s11+$0x10] =	vst v6  }
0x152: {  	[tilespmem:s11+$0x70] =	vst v4;
	v4 =	vld [tilespmem:s11+$0xA0]  }
0x153: {  	v6 =	vld.idx.msk [tilespmem:v8+s31+$0x0], $0xffff  }
0x154: {  	v8 =	vld [tilespmem:s11+$0x90]  }
0x155: {  	v10 =	vld [tilespmem:s11+$0xB0]  }
0x156: {  	v11 =	vld [tilespmem:s11+$0xD0]  }
0x157: {  	v12 =	vld [tilespmem:s11+$0xF0];
	_ =	sdelay $0x1  }
0x158: {  	v7 =	vmul.f32 v7, v6;
	v8 =	vmul.f32 v8, v6  }
0x159: {  	v4 =	vmul.f32 v4, v6;
	v10 =	vmul.f32 v10, v6  }
0x15a: {  	v13 =	vmov s12;
	[tilespmem:s11+$0x80] =	vst v7;
	v7 =	vmul.f32 v9, v6;
	v9 =	vmul.f32 v11, v6  }
0x15b: {  	v11 =	vand.u32 $0xFFFFFFFC, v13;
	[tilespmem:s11+$0xA0] =	vst v4;
	v4 =	vmul.f32 v5, v6;
	v5 =	vmul.f32 v12, v6  }
0x15c: {  	v6 =	vbroadcast v11, $0x0;
	[tilespmem:s11+$0xC0] =	vst v7  }
0x15d: {  	[tilespmem:s11+$0xF0] =	vst v5  }
0x15e: {  	v5 =	vld [tilespmem:s14+$0xFFFFFF40];
	[tilespmem:s11+$0xE0] =	vst v4  }
0x15f: {  	v4 =	vld [tilespmem:s14+$0xFFFFFF50];
	[tilespmem:s11+$0x90] =	vst v8  }
0x160: {  	v7 =	vld [tilespmem:s14+$0xFFFFFF60];
	[tilespmem:s11+$0xB0] =	vst v10  }
0x161: {  	v8 =	vld [tilespmem:s14+$0xFFFFFF70];
	[tilespmem:s11+$0xD0] =	vst v9;
	s11 =	smov.u32 s14  }
0x162: {  	v6 =	vld.idx.msk [tilespmem:v6+s31+$0x0], $0xffff  }
0x163: {  	v9 =	vld [tilespmem:s14+$0xFFFFFF00]  }
0x164: {  	v10 =	vld [tilespmem:s14+$0xFFFFFF20]  }
0x165: {  	v11 =	vld [tilespmem:s14+$0xFFFFFF10]  }
0x166: {  	v12 =	vld [tilespmem:s14+$0xFFFFFF30];
	_ =	sdelay $0x1  }
0x167: {  	v8 =	vmul.f32 v8, v6;
	v9 =	vmul.f32 v9, v6  }
0x168: {  	s15 =	sadd.s32 $0x1, s12;
	v7 =	vmul.f32 v7, v6;
	v10 =	vmul.f32 v10, v6  }
0x169: {  	v4 =	vmul.f32 v4, v6;
	v11 =	vmul.f32 v11, v6;
	[tilespmem:s14+$0xFFFFFF70] =	vst v8;
	v8 =	vmov s15  }
0x16a: {  	v5 =	vmul.f32 v5, v6;
	[tilespmem:s14+$0xFFFFFF00] =	vst v9;
	v9 =	vmul.f32 v12, v6;
	v6 =	vand.u32 $0xFFFFFFFD, v8  }
0x16b: {  	[tilespmem:s14+$0xFFFFFF20] =	vst v10;
	v6 =	vbroadcast v6, $0x0  }
0x16c: {  	[tilespmem:s14+$0xFFFFFF50] =	vst v4  }
0x16d: {  	[tilespmem:s14+$0xFFFFFF40] =	vst v5;
	v4 =	vld [tilespmem:s14+$0xFFFFFFF0]  }
0x16e: {  	[tilespmem:s14+$0xFFFFFF60] =	vst v7;
	v5 =	vld [tilespmem:s14+$0xFFFFFFC0]  }
0x16f: {  	[tilespmem:s14+$0xFFFFFF30] =	vst v9;
	v7 =	vld [tilespmem:s14+$0xFFFFFFD0]  }
0x170: {  	[tilespmem:s14+$0xFFFFFF10] =	vst v11;
	v8 =	vld [tilespmem:s14+$0xFFFFFF90]  }
0x171: {  	v6 =	vld.idx.msk [tilespmem:v6+s31+$0x0], $0xffff  }
0x172: {  	v9 =	vld [tilespmem:s14+$0xFFFFFF80]  }
0x173: {  	v10 =	vld [tilespmem:s14+$0xFFFFFFA0]  }
0x174: {  	v11 =	vld [tilespmem:s14+$0xFFFFFFB0]  }
0x175: {  	v12 =	vld [tilespmem:s14+$0xFFFFFFE0];
	_ =	sdelay $0x1  }
0x176: {  	v8 =	vmul.f32 v8, v6;
	v9 =	vmul.f32 v9, v6  }
0x177: {  	s15 =	sadd.s32 $0x2, s12;
	v7 =	vmul.f32 v7, v6;
	v10 =	vmul.f32 v10, v6  }
0x178: {  	v5 =	vmul.f32 v5, v6;
	[tilespmem:s14+$0xFFFFFF90] =	vst v8;
	v8 =	vmul.f32 v11, v6;
	v11 =	vmov s15  }
0x179: {  	v4 =	vmul.f32 v4, v6;
	[tilespmem:s14+$0xFFFFFFA0] =	vst v10;
	v10 =	vmul.f32 v12, v6;
	v6 =	vand.u32 $0xFFFFFFFE, v11  }
0x17a: {  	[tilespmem:s14+$0xFFFFFF80] =	vst v9;
	v6 =	vbroadcast v6, $0x0  }
0x17b: {  	[tilespmem:s14+$0xFFFFFFB0] =	vst v8  }
0x17c: {  	[tilespmem:s14+$0xFFFFFFC0] =	vst v5  }
0x17d: {  	[tilespmem:s14+$0xFFFFFFD0] =	vst v7  }
.Ltmp7:
0x17e: {  	[tilespmem:s14+$0xFFFFFFF0] =	vst v4;
	v5 =	vld [tilespmem:s14+$0x40];
	(pc) =	sbr.rel @p0 .LBB2_8-.Ltmp7, $4  }
0x17f: {  	[tilespmem:s14+$0xFFFFFFE0] =	vst v10;
	v7 =	vld [tilespmem:s14+$0x60]  }
0x180: {  	v4 =	vld.idx.msk [tilespmem:v6+s31+$0x0], $0xffff  }
0x181: {  	v8 =	vld [tilespmem:s14+$0x0]  }
0x182: {  	v6 =	vld [tilespmem:s14+$0x10]  }
0x183: {  	_ =	sdelay $0x1  }
0x184: {  	v7 =	vmul.f32 v7, v4  }
0x185: {  	v9 =	vld [tilespmem:s11+$0x50];
	v5 =	vmul.f32 v5, v4  }
0x186: {  	v10 =	vld [tilespmem:s11+$0x70];
	v2 =	vmul.f32 v2, v4;
	[tilespmem:s11+$0x60] =	vst v7  }
0x187: {  	v50 =	vmul.f32 v8, v4;
	[tilespmem:s11+$0x40] =	vst v5  }
0x188: {  	s12 =	sadd.s32 $0x3, s12;
	[tilespmem:s11+$0x20] =	vst v2;
	v2 =	vmul.f32 v3, v4  }
0x189: {  	v52 =	vmov s12;
	v6 =	vmul.f32 v6, v4;
	[tilespmem:s11+$0x0] =	vst v50  }
0x18a: {  	v51 =	vmul.f32 v9, v4;
	[tilespmem:s11+$0x30] =	vst v2  }
0x18b: {  	v53 =	vmul.f32 v10, v4;
	[tilespmem:s11+$0x10] =	vst v6  }
0x18c: {  	[tilespmem:s11+$0x50] =	vst v51  }
0x18d: {  	v3 =	vld [tilespmem:s11+$0x80];
	[tilespmem:s11+$0x70] =	vst v53  }
0x18e: {  	v2 =	vld.idx.msk [tilespmem:v52+s31+$0x0], $0xffff  }
0x18f: {  	v54 =	vld [tilespmem:s11+$0xA0]  }
0x190: {  	v56 =	vld [tilespmem:s11+$0xF0]  }
0x191: {  	v57 =	vld [tilespmem:s11+$0xE0]  }
0x192: {  	v55 =	vld [tilespmem:s11+$0xC0]  }
0x193: {  	v59 =	vld [tilespmem:s11+$0xB0];
	v3 =	vmul.f32 v3, v2  }
0x194: {  	v58 =	vld [tilespmem:s11+$0x90];
	v4 =	vmul.f32 v54, v2  }
0x195: {  	v60 =	vld [tilespmem:s11+$0xD0];
	v61 =	vmul.f32 v56, v2;
	[tilespmem:s11+$0x80] =	vst v3  }
0x196: {  	v62 =	vmul.f32 v57, v2;
	[tilespmem:s11+$0xA0] =	vst v4  }
0x197: {  	v3 =	vmul.f32 v55, v2;
	[tilespmem:s11+$0xF0] =	vst v61  }
0x198: {  	v63 =	vmul.f32 v59, v2;
	[tilespmem:s11+$0xE0] =	vst v62  }
.Ltmp8:
0x199: {  	[tilespmem:s11+$0xC0] =	vst v3;
	v3 =	vmul.f32 v58, v2;
	(pc) =	sbr.rel .LBB2_10-.Ltmp8, $4  }
0x19a: {  	[tilespmem:s11+$0xB0] =	vst v63;
	v2 =	vmul.f32 v60, v2  }
0x19b: {  	[tilespmem:s11+$0x90] =	vst v3  }
0x19c: {  	[tilespmem:s11+$0xD0] =	vst v2  }
0x19d: {  	[spmem:s3] =	stream.indirect.scatter.add.f32 [tilespmem:s25], [sflag:$0x4], $0x80, s24, s22, $0xb8;
	[tilespmem:$0x1C300] =	vst v63  }
.LBB2_12:
0x19e: {  	_ =	sfence.sel $0x180000  }
0x19f: {  	[bflag:$0x0] =	sbarrier.arrive $0xFFFF  }
0x1a0: {  	_ =	strace $0x9000004A  }
0x1a1: {  	s0 =	stileid.u32;
	[bflag:$0x2] =	sbarrier.arrive $0xFFFF  }
0x1a2: {  	p0 =	sne.s32 s0, $0x0;
	s0 =	rddreg [dreg:$0x3]  }
0x1a3: {  	s0 =	sadd.s32 @!p0 $0x100000, s0  }
0x1a4: {  	[sflag:s0] =	ssyncadd.tile.s32 @!p0 $0x1;
	_ =	shalt  }
.Lfunc_end2:
_tile_overlayer_lowered:
.L_overlay_start_2:
0x1a5: {  	(tag) =	ssettag $0x2  }
0x1a6: {  	s0 =	rddreg [dreg:$0x0];
	s2 =	stileid.u32  }
0x1a7: {  	s1 =	rddreg [dreg:$0x1];
	p0 =	sne.s32 s2, $0x0  }
0x1a8: {  	s3 =	rddreg [dreg:$0x2];
	[bflag:$0x3] =	sbarrier.arrive $0xFFFF;
	s2 =	simm.s32 @!p0 $0x1C05  }
0x1a9: {  	[timem:s3], [sflag:s2] =	dma.local @!p0 [hbm:s0], s1  }
0x1aa: {  	s0 =	simm.s32 @!p0 $0x5  }
0x1ab: {  	_ =	swait.ge @!p0 [sflag:s0], s1  }
0x1ac: {  	s1 =	ssub.s32 @!p0 $0x0, s1;
	[sflag:s0] =	ssyncset.done @!p0 $0x0  }
0x1ad: {  	[sflag:s0] =	ssyncadd.s32 @!p0 s1  }
0x1ae: {  	[bflag:$0x3] =	sbarrier.arrive $0xFFFF  }
0x1af: {  	_ =	shalt  }

</sc_bundles>
